<compile_context>
chip_gen: v7x
topology: tpu7x:2x2x1
jax: 0.10.2.dev20260603
libtpu: 0.0.44.dev20260713+nightly
codegen_flags: <defaults>
</compile_context>

<pallas_src>
import functools

import jax
import jax.numpy as jnp
from jax import lax
from jax.experimental import pallas as pl
from jax.experimental.pallas import tpu as pltpu
from jax.experimental.pallas import tpu_sc as plsc

B = 16384
D = 16
L = 16
NC = 2
NS = 16
NW = NC * NS
BPW = B // NW
CHUNK = 128
NCH = BPW // CHUNK
NGRP = BPW // L


def _bpr_sc_body(
    uid_hbm,
    pid_hbm,
    nid_hbm,
    ut_hbm,
    pt_hbm,
    pos_out,
    neg_out,
    uid_v,
    pid_v,
    nid_v,
    u_rows,
    i_rows,
    j_rows,
    ps_v,
    ns_v,
    sem,
):
    wid = lax.axis_index("s") * NC + lax.axis_index("c")
    rbase = wid * NCH
    base = wid * BPW

    pltpu.sync_copy(uid_hbm.at[pl.ds(rbase, NCH)], uid_v)
    pltpu.sync_copy(pid_hbm.at[pl.ds(rbase, NCH)], pid_v)
    pltpu.sync_copy(nid_hbm.at[pl.ds(rbase, NCH)], nid_v)

    copies = []
    for k in range(NCH):
        dst = pl.ds(k * CHUNK, CHUNK)
        copies.append(pltpu.async_copy(ut_hbm.at[uid_v.at[k]], u_rows.at[dst], sem))
        copies.append(pltpu.async_copy(pt_hbm.at[pid_v.at[k]], i_rows.at[dst], sem))
        copies.append(pltpu.async_copy(pt_hbm.at[nid_v.at[k]], j_rows.at[dst], sem))
    for cp in copies:
        cp.wait()

    lane = lax.iota(jnp.int32, L)

    def group(g, carry):
        rows = g * L + lane
        accp = jnp.zeros((L,), jnp.float32)
        accn = jnp.zeros((L,), jnp.float32)
        for c in range(D):
            cc = jnp.full((L,), c, jnp.int32)
            uc = plsc.load_gather(u_rows, [rows, cc])
            ic = plsc.load_gather(i_rows, [rows, cc])
            jc = plsc.load_gather(j_rows, [rows, cc])
            accp = accp + uc * ic
            accn = accn + uc * jc
        ps_v[pl.ds(g * L, L)] = accp
        ns_v[pl.ds(g * L, L)] = accn
        return carry

    lax.fori_loop(0, NGRP, group, 0)

    pltpu.sync_copy(ps_v, pos_out.at[pl.ds(base, BPW)])
    pltpu.sync_copy(ns_v, neg_out.at[pl.ds(base, BPW)])


@functools.cache
def _build():
    mesh = plsc.VectorSubcoreMesh(
        core_axis_name="c", subcore_axis_name="s", num_cores=NC, num_subcores=NS
    )
    return pl.kernel(
        _bpr_sc_body,
        out_type=(
            jax.ShapeDtypeStruct((B,), jnp.float32),
            jax.ShapeDtypeStruct((B,), jnp.float32),
        ),
        mesh=mesh,
        scratch_types=[
            pltpu.VMEM((NCH, CHUNK), jnp.int32),
            pltpu.VMEM((NCH, CHUNK), jnp.int32),
            pltpu.VMEM((NCH, CHUNK), jnp.int32),
            pltpu.VMEM((BPW, D), jnp.float32),
            pltpu.VMEM((BPW, D), jnp.float32),
            pltpu.VMEM((BPW, D), jnp.float32),
            pltpu.VMEM((BPW,), jnp.float32),
            pltpu.VMEM((BPW,), jnp.float32),
            pltpu.SemaphoreType.DMA,
        ],
        compiler_params=pltpu.CompilerParams(
            needs_layout_passes=False, use_tc_tiling_on_sc=False
        ),
    )


def kernel(user_ids, pos_pids, neg_pids, user_table, playlist_table):
    uid2 = user_ids.astype(jnp.int32).reshape(B // CHUNK, CHUNK)
    pid2 = pos_pids.astype(jnp.int32).reshape(B // CHUNK, CHUNK)
    nid2 = neg_pids.astype(jnp.int32).reshape(B // CHUNK, CHUNK)
    pos, neg = _build()(uid2, pid2, nid2, user_table, playlist_table)
    return (pos, neg)

# --- scband reference (transcript-rebuilt; emitter-appended) ---
"""Pipeline reference for scband-bprmodel-42941083025487 (READ-ONLY COPY).

The authoritative reference and input builder live on the scoring server;
editing this copy changes nothing except your own understanding.
"""

import jax, jax.numpy as jnp
import numpy as np

NUM_USERS = 1000000
NUM_PLAYLISTS = 1000000
EMBED_DIM = 16
BATCH = 16384

def _xavier_uniform(key, shape):
    fan_in, fan_out = shape[0], shape[1]
    bound = np.sqrt(6.0 / (fan_in + fan_out))
    return jax.random.uniform(key, shape, minval=-bound, maxval=bound, dtype=jnp.float32)

def setup_inputs(seed: int = 0) -> dict:
    key = jax.random.key(seed)
    k1, k2, k3, k4, k5 = jax.random.split(key, 5)
    user_ids = jax.random.randint(k1, (BATCH,), 0, NUM_USERS, dtype=jnp.int64 if jax.config.jax_enable_x64 else jnp.int32)
    pos_pids = jax.random.randint(k2, (BATCH,), 0, NUM_PLAYLISTS, dtype=jnp.int64 if jax.config.jax_enable_x64 else jnp.int32)
    neg_pids = jax.random.randint(k3, (BATCH,), 0, NUM_PLAYLISTS, dtype=jnp.int64 if jax.config.jax_enable_x64 else jnp.int32)
    user_table = _xavier_uniform(k4, (NUM_USERS, EMBED_DIM))
    playlist_table = _xavier_uniform(k5, (NUM_PLAYLISTS, EMBED_DIM))
    return {
        'user_ids': user_ids,
        'pos_pids': pos_pids,
        'neg_pids': neg_pids,
        'user_table': user_table,
        'playlist_table': playlist_table,
    }

def reference(user_ids, pos_pids, neg_pids, user_table, playlist_table):
    u = jnp.take(user_table, user_ids, axis=0)
    i = jnp.take(playlist_table, pos_pids, axis=0)
    j = jnp.take(playlist_table, neg_pids, axis=0)
    pos_scores = jnp.sum(u * i, axis=1)
    neg_scores = jnp.sum(u * j, axis=1)
    return (pos_scores, neg_scores)

if __name__ == "__main__":
    import jax
    _d = setup_inputs()
    print(jax.jit(kernel)(*tuple(_d.values())))

</pallas_src>

<mosaic_0001>
#map = affine_map<(d0, d1) -> (0, 0)>
#map1 = affine_map<(d0, d1) -> (0)>
module attributes {stable_mosaic.version = 14 : i64} {
  func.func @_bpr_sc_body(%arg0: i32, %arg1: i32, %arg2: memref<128x128xi32, #tpu.memory_space<hbm>>, %arg3: memref<128x128xi32, #tpu.memory_space<hbm>>, %arg4: memref<128x128xi32, #tpu.memory_space<hbm>>, %arg5: memref<1000000x16xf32, #tpu.memory_space<hbm>>, %arg6: memref<1000000x16xf32, #tpu.memory_space<hbm>>, %arg7: memref<16384xf32, #tpu.memory_space<hbm>>, %arg8: memref<16384xf32, #tpu.memory_space<hbm>>, %arg9: memref<4x128xi32, #tpu.memory_space<vmem>>, %arg10: memref<4x128xi32, #tpu.memory_space<vmem>>, %arg11: memref<4x128xi32, #tpu.memory_space<vmem>>, %arg12: memref<512x16xf32, #tpu.memory_space<vmem>>, %arg13: memref<512x16xf32, #tpu.memory_space<vmem>>, %arg14: memref<512x16xf32, #tpu.memory_space<vmem>>, %arg15: memref<512xf32, #tpu.memory_space<vmem>>, %arg16: memref<512xf32, #tpu.memory_space<vmem>>, %arg17: memref<!tpu.dma_semaphore, #tpu.memory_space<semaphore_mem>>) attributes {dimension_semantics = [#tpu.dimension_semantics<core_parallel>, #tpu.dimension_semantics<subcore_parallel>], iteration_bounds = array<i64: 2, 16>, scalar_prefetch = 0 : i64, scratch_operands = 9 : i64, tpu.core_type = #tpu.core_type<sc_vector_subcore>, window_params = [{transform_indices = #map}, {transform_indices = #map}, {transform_indices = #map}, {transform_indices = #map}, {transform_indices = #map}, {transform_indices = #map1}, {transform_indices = #map1}]} {
    %mul3A = arith.constant 2 : i32
    %mul3A_0 = arith.muli %arg1, %mul3A : i32
    %add3A = arith.addi %mul3A_0, %arg0 : i32
    %mul3A_1 = arith.constant 4 : i32
    %mul3A_2 = arith.muli %add3A, %mul3A_1 : i32
    %mul3A_3 = arith.constant 512 : i32
    %mul3A_4 = arith.muli %add3A, %mul3A_3 : i32
    "tpu.region"() ({
      %run_scoped3A = tpu.sem_alloc : memref<!tpu.dma_semaphore, #tpu.memory_space<semaphore_mem>>
      %dma_start3A_248 = arith.constant 0 : i32
      %dma_start3A_249 = tpu.memref_slice %arg2[%mul3A_2, %dma_start3A_248] : memref<128x128xi32, #tpu.memory_space<hbm>> -> memref<4x128xi32, #tpu.memory_space<hbm>>
      %dma_start3A_250 = arith.constant 0 : i32
      %dma_start3A_251 = tpu.memref_slice %arg2[%mul3A_2, %dma_start3A_250] : memref<128x128xi32, #tpu.memory_space<hbm>> -> memref<4x128xi32, #tpu.memory_space<hbm>>
      tpu.enqueue_dma source(%dma_start3A_251 : memref<4x128xi32, #tpu.memory_space<hbm>>) target(%arg9 : memref<4x128xi32, #tpu.memory_space<vmem>>) target_semaphore(%run_scoped3A : memref<!tpu.dma_semaphore, #tpu.memory_space<semaphore_mem>>)
      %dma_wait3A_252 = arith.constant 0 : i32
      %dma_wait3A_253 = tpu.memref_slice %arg2[%mul3A_2, %dma_wait3A_252] : memref<128x128xi32, #tpu.memory_space<hbm>> -> memref<4x128xi32, #tpu.memory_space<hbm>>
      %dma_wait3A_254 = arith.constant 0 : i32
      %dma_wait3A_255 = tpu.memref_slice %arg2[%mul3A_2, %dma_wait3A_254] : memref<128x128xi32, #tpu.memory_space<hbm>> -> memref<4x128xi32, #tpu.memory_space<hbm>>
      tpu.wait_dma2 semaphore(%run_scoped3A : memref<!tpu.dma_semaphore, #tpu.memory_space<semaphore_mem>>) src(%dma_wait3A_255 : memref<4x128xi32, #tpu.memory_space<hbm>>) dst(%arg9 : memref<4x128xi32, #tpu.memory_space<vmem>>)
      tpu.yield
    }) : () -> ()
    "tpu.region"() ({
      %run_scoped3A = tpu.sem_alloc : memref<!tpu.dma_semaphore, #tpu.memory_space<semaphore_mem>>
      %dma_start3A_248 = arith.constant 0 : i32
      %dma_start3A_249 = tpu.memref_slice %arg3[%mul3A_2, %dma_start3A_248] : memref<128x128xi32, #tpu.memory_space<hbm>> -> memref<4x128xi32, #tpu.memory_space<hbm>>
      %dma_start3A_250 = arith.constant 0 : i32
      %dma_start3A_251 = tpu.memref_slice %arg3[%mul3A_2, %dma_start3A_250] : memref<128x128xi32, #tpu.memory_space<hbm>> -> memref<4x128xi32, #tpu.memory_space<hbm>>
      tpu.enqueue_dma source(%dma_start3A_251 : memref<4x128xi32, #tpu.memory_space<hbm>>) target(%arg10 : memref<4x128xi32, #tpu.memory_space<vmem>>) target_semaphore(%run_scoped3A : memref<!tpu.dma_semaphore, #tpu.memory_space<semaphore_mem>>)
      %dma_wait3A_252 = arith.constant 0 : i32
      %dma_wait3A_253 = tpu.memref_slice %arg3[%mul3A_2, %dma_wait3A_252] : memref<128x128xi32, #tpu.memory_space<hbm>> -> memref<4x128xi32, #tpu.memory_space<hbm>>
      %dma_wait3A_254 = arith.constant 0 : i32
      %dma_wait3A_255 = tpu.memref_slice %arg3[%mul3A_2, %dma_wait3A_254] : memref<128x128xi32, #tpu.memory_space<hbm>> -> memref<4x128xi32, #tpu.memory_space<hbm>>
      tpu.wait_dma2 semaphore(%run_scoped3A : memref<!tpu.dma_semaphore, #tpu.memory_space<semaphore_mem>>) src(%dma_wait3A_255 : memref<4x128xi32, #tpu.memory_space<hbm>>) dst(%arg10 : memref<4x128xi32, #tpu.memory_space<vmem>>)
      tpu.yield
    }) : () -> ()
    "tpu.region"() ({
      %run_scoped3A = tpu.sem_alloc : memref<!tpu.dma_semaphore, #tpu.memory_space<semaphore_mem>>
      %dma_start3A_248 = arith.constant 0 : i32
      %dma_start3A_249 = tpu.memref_slice %arg4[%mul3A_2, %dma_start3A_248] : memref<128x128xi32, #tpu.memory_space<hbm>> -> memref<4x128xi32, #tpu.memory_space<hbm>>
      %dma_start3A_250 = arith.constant 0 : i32
      %dma_start3A_251 = tpu.memref_slice %arg4[%mul3A_2, %dma_start3A_250] : memref<128x128xi32, #tpu.memory_space<hbm>> -> memref<4x128xi32, #tpu.memory_space<hbm>>
      tpu.enqueue_dma source(%dma_start3A_251 : memref<4x128xi32, #tpu.memory_space<hbm>>) target(%arg11 : memref<4x128xi32, #tpu.memory_space<vmem>>) target_semaphore(%run_scoped3A : memref<!tpu.dma_semaphore, #tpu.memory_space<semaphore_mem>>)
      %dma_wait3A_252 = arith.constant 0 : i32
      %dma_wait3A_253 = tpu.memref_slice %arg4[%mul3A_2, %dma_wait3A_252] : memref<128x128xi32, #tpu.memory_space<hbm>> -> memref<4x128xi32, #tpu.memory_space<hbm>>
      %dma_wait3A_254 = arith.constant 0 : i32
      %dma_wait3A_255 = tpu.memref_slice %arg4[%mul3A_2, %dma_wait3A_254] : memref<128x128xi32, #tpu.memory_space<hbm>> -> memref<4x128xi32, #tpu.memory_space<hbm>>
      tpu.wait_dma2 semaphore(%run_scoped3A : memref<!tpu.dma_semaphore, #tpu.memory_space<semaphore_mem>>) src(%dma_wait3A_255 : memref<4x128xi32, #tpu.memory_space<hbm>>) dst(%arg11 : memref<4x128xi32, #tpu.memory_space<vmem>>)
      tpu.yield
    }) : () -> ()
    %dma_start3A = arith.constant 0 : i32
    %dma_start3A_5 = arith.constant 0 : i32
    %dma_start3A_6 = arith.constant 0 : i32
    %dma_start3A_7 = tpu.memref_slice %arg12[%dma_start3A_5, %dma_start3A_6] : memref<512x16xf32, #tpu.memory_space<vmem>> -> memref<128x16xf32, #tpu.memory_space<vmem>>
    %dma_start3A_8 = arith.constant 0 : i32
    %dma_start3A_9 = tpu.memref_slice %arg9[%dma_start3A, %dma_start3A_8] : memref<4x128xi32, #tpu.memory_space<vmem>> -> memref<1x128xi32, #tpu.memory_space<vmem>>
    %dma_start3A_10 = tpu.memref_squeeze %dma_start3A_9 : memref<1x128xi32, #tpu.memory_space<vmem>> -> memref<128xi32, #tpu.memory_space<vmem>>
    %dma_start3A_11 = arith.constant 0 : i32
    %dma_start3A_12 = arith.constant 0 : i32
    %dma_start3A_13 = tpu.memref_slice %arg5[%dma_start3A_11, %dma_start3A_12] : memref<1000000x16xf32, #tpu.memory_space<hbm>> -> memref<1000000x16xf32, #tpu.memory_space<hbm>>
    tpu.enqueue_indirect_dma source(%dma_start3A_13 : memref<1000000x16xf32, #tpu.memory_space<hbm>>) target(%dma_start3A_7 : memref<128x16xf32, #tpu.memory_space<vmem>>) offsets(%dma_start3A_10 : memref<128xi32, #tpu.memory_space<vmem>>) semaphore(%arg17 : memref<!tpu.dma_semaphore, #tpu.memory_space<semaphore_mem>>)
    %dma_start3A_14 = arith.constant 0 : i32
    %dma_start3A_15 = arith.constant 0 : i32
    %dma_start3A_16 = arith.constant 0 : i32
    %dma_start3A_17 = tpu.memref_slice %arg13[%dma_start3A_15, %dma_start3A_16] : memref<512x16xf32, #tpu.memory_space<vmem>> -> memref<128x16xf32, #tpu.memory_space<vmem>>
    %dma_start3A_18 = arith.constant 0 : i32
    %dma_start3A_19 = tpu.memref_slice %arg10[%dma_start3A_14, %dma_start3A_18] : memref<4x128xi32, #tpu.memory_space<vmem>> -> memref<1x128xi32, #tpu.memory_space<vmem>>
    %dma_start3A_20 = tpu.memref_squeeze %dma_start3A_19 : memref<1x128xi32, #tpu.memory_space<vmem>> -> memref<128xi32, #tpu.memory_space<vmem>>
    %dma_start3A_21 = arith.constant 0 : i32
    %dma_start3A_22 = arith.constant 0 : i32
    %dma_start3A_23 = tpu.memref_slice %arg6[%dma_start3A_21, %dma_start3A_22] : memref<1000000x16xf32, #tpu.memory_space<hbm>> -> memref<1000000x16xf32, #tpu.memory_space<hbm>>
    tpu.enqueue_indirect_dma source(%dma_start3A_23 : memref<1000000x16xf32, #tpu.memory_space<hbm>>) target(%dma_start3A_17 : memref<128x16xf32, #tpu.memory_space<vmem>>) offsets(%dma_start3A_20 : memref<128xi32, #tpu.memory_space<vmem>>) semaphore(%arg17 : memref<!tpu.dma_semaphore, #tpu.memory_space<semaphore_mem>>)
    %dma_start3A_24 = arith.constant 0 : i32
    %dma_start3A_25 = arith.constant 0 : i32
    %dma_start3A_26 = arith.constant 0 : i32
    %dma_start3A_27 = tpu.memref_slice %arg14[%dma_start3A_25, %dma_start3A_26] : memref<512x16xf32, #tpu.memory_space<vmem>> -> memref<128x16xf32, #tpu.memory_space<vmem>>
    %dma_start3A_28 = arith.constant 0 : i32
    %dma_start3A_29 = tpu.memref_slice %arg11[%dma_start3A_24, %dma_start3A_28] : memref<4x128xi32, #tpu.memory_space<vmem>> -> memref<1x128xi32, #tpu.memory_space<vmem>>
    %dma_start3A_30 = tpu.memref_squeeze %dma_start3A_29 : memref<1x128xi32, #tpu.memory_space<vmem>> -> memref<128xi32, #tpu.memory_space<vmem>>
    %dma_start3A_31 = arith.constant 0 : i32
    %dma_start3A_32 = arith.constant 0 : i32
    %dma_start3A_33 = tpu.memref_slice %arg6[%dma_start3A_31, %dma_start3A_32] : memref<1000000x16xf32, #tpu.memory_space<hbm>> -> memref<1000000x16xf32, #tpu.memory_space<hbm>>
    tpu.enqueue_indirect_dma source(%dma_start3A_33 : memref<1000000x16xf32, #tpu.memory_space<hbm>>) target(%dma_start3A_27 : memref<128x16xf32, #tpu.memory_space<vmem>>) offsets(%dma_start3A_30 : memref<128xi32, #tpu.memory_space<vmem>>) semaphore(%arg17 : memref<!tpu.dma_semaphore, #tpu.memory_space<semaphore_mem>>)
    %dma_start3A_34 = arith.constant 1 : i32
    %dma_start3A_35 = arith.constant 128 : i32
    %dma_start3A_36 = arith.constant 0 : i32
    %dma_start3A_37 = tpu.memref_slice %arg12[%dma_start3A_35, %dma_start3A_36] : memref<512x16xf32, #tpu.memory_space<vmem>> -> memref<128x16xf32, #tpu.memory_space<vmem>>
    %dma_start3A_38 = arith.constant 0 : i32
    %dma_start3A_39 = tpu.memref_slice %arg9[%dma_start3A_34, %dma_start3A_38] : memref<4x128xi32, #tpu.memory_space<vmem>> -> memref<1x128xi32, #tpu.memory_space<vmem>>
    %dma_start3A_40 = tpu.memref_squeeze %dma_start3A_39 : memref<1x128xi32, #tpu.memory_space<vmem>> -> memref<128xi32, #tpu.memory_space<vmem>>
    %dma_start3A_41 = arith.constant 0 : i32
    %dma_start3A_42 = arith.constant 0 : i32
    %dma_start3A_43 = tpu.memref_slice %arg5[%dma_start3A_41, %dma_start3A_42] : memref<1000000x16xf32, #tpu.memory_space<hbm>> -> memref<1000000x16xf32, #tpu.memory_space<hbm>>
    tpu.enqueue_indirect_dma source(%dma_start3A_43 : memref<1000000x16xf32, #tpu.memory_space<hbm>>) target(%dma_start3A_37 : memref<128x16xf32, #tpu.memory_space<vmem>>) offsets(%dma_start3A_40 : memref<128xi32, #tpu.memory_space<vmem>>) semaphore(%arg17 : memref<!tpu.dma_semaphore, #tpu.memory_space<semaphore_mem>>)
    %dma_start3A_44 = arith.constant 1 : i32
    %dma_start3A_45 = arith.constant 128 : i32
    %dma_start3A_46 = arith.constant 0 : i32
    %dma_start3A_47 = tpu.memref_slice %arg13[%dma_start3A_45, %dma_start3A_46] : memref<512x16xf32, #tpu.memory_space<vmem>> -> memref<128x16xf32, #tpu.memory_space<vmem>>
    %dma_start3A_48 = arith.constant 0 : i32
    %dma_start3A_49 = tpu.memref_slice %arg10[%dma_start3A_44, %dma_start3A_48] : memref<4x128xi32, #tpu.memory_space<vmem>> -> memref<1x128xi32, #tpu.memory_space<vmem>>
    %dma_start3A_50 = tpu.memref_squeeze %dma_start3A_49 : memref<1x128xi32, #tpu.memory_space<vmem>> -> memref<128xi32, #tpu.memory_space<vmem>>
    %dma_start3A_51 = arith.constant 0 : i32
    %dma_start3A_52 = arith.constant 0 : i32
    %dma_start3A_53 = tpu.memref_slice %arg6[%dma_start3A_51, %dma_start3A_52] : memref<1000000x16xf32, #tpu.memory_space<hbm>> -> memref<1000000x16xf32, #tpu.memory_space<hbm>>
    tpu.enqueue_indirect_dma source(%dma_start3A_53 : memref<1000000x16xf32, #tpu.memory_space<hbm>>) target(%dma_start3A_47 : memref<128x16xf32, #tpu.memory_space<vmem>>) offsets(%dma_start3A_50 : memref<128xi32, #tpu.memory_space<vmem>>) semaphore(%arg17 : memref<!tpu.dma_semaphore, #tpu.memory_space<semaphore_mem>>)
    %dma_start3A_54 = arith.constant 1 : i32
    %dma_start3A_55 = arith.constant 128 : i32
    %dma_start3A_56 = arith.constant 0 : i32
    %dma_start3A_57 = tpu.memref_slice %arg14[%dma_start3A_55, %dma_start3A_56] : memref<512x16xf32, #tpu.memory_space<vmem>> -> memref<128x16xf32, #tpu.memory_space<vmem>>
    %dma_start3A_58 = arith.constant 0 : i32
    %dma_start3A_59 = tpu.memref_slice %arg11[%dma_start3A_54, %dma_start3A_58] : memref<4x128xi32, #tpu.memory_space<vmem>> -> memref<1x128xi32, #tpu.memory_space<vmem>>
    %dma_start3A_60 = tpu.memref_squeeze %dma_start3A_59 : memref<1x128xi32, #tpu.memory_space<vmem>> -> memref<128xi32, #tpu.memory_space<vmem>>
    %dma_start3A_61 = arith.constant 0 : i32
    %dma_start3A_62 = arith.constant 0 : i32
    %dma_start3A_63 = tpu.memref_slice %arg6[%dma_start3A_61, %dma_start3A_62] : memref<1000000x16xf32, #tpu.memory_space<hbm>> -> memref<1000000x16xf32, #tpu.memory_space<hbm>>
    tpu.enqueue_indirect_dma source(%dma_start3A_63 : memref<1000000x16xf32, #tpu.memory_space<hbm>>) target(%dma_start3A_57 : memref<128x16xf32, #tpu.memory_space<vmem>>) offsets(%dma_start3A_60 : memref<128xi32, #tpu.memory_space<vmem>>) semaphore(%arg17 : memref<!tpu.dma_semaphore, #tpu.memory_space<semaphore_mem>>)
    %dma_start3A_64 = arith.constant 2 : i32
    %dma_start3A_65 = arith.constant 256 : i32
    %dma_start3A_66 = arith.constant 0 : i32
    %dma_start3A_67 = tpu.memref_slice %arg12[%dma_start3A_65, %dma_start3A_66] : memref<512x16xf32, #tpu.memory_space<vmem>> -> memref<128x16xf32, #tpu.memory_space<vmem>>
    %dma_start3A_68 = arith.constant 0 : i32
    %dma_start3A_69 = tpu.memref_slice %arg9[%dma_start3A_64, %dma_start3A_68] : memref<4x128xi32, #tpu.memory_space<vmem>> -> memref<1x128xi32, #tpu.memory_space<vmem>>
    %dma_start3A_70 = tpu.memref_squeeze %dma_start3A_69 : memref<1x128xi32, #tpu.memory_space<vmem>> -> memref<128xi32, #tpu.memory_space<vmem>>
    %dma_start3A_71 = arith.constant 0 : i32
    %dma_start3A_72 = arith.constant 0 : i32
    %dma_start3A_73 = tpu.memref_slice %arg5[%dma_start3A_71, %dma_start3A_72] : memref<1000000x16xf32, #tpu.memory_space<hbm>> -> memref<1000000x16xf32, #tpu.memory_space<hbm>>
    tpu.enqueue_indirect_dma source(%dma_start3A_73 : memref<1000000x16xf32, #tpu.memory_space<hbm>>) target(%dma_start3A_67 : memref<128x16xf32, #tpu.memory_space<vmem>>) offsets(%dma_start3A_70 : memref<128xi32, #tpu.memory_space<vmem>>) semaphore(%arg17 : memref<!tpu.dma_semaphore, #tpu.memory_space<semaphore_mem>>)
    %dma_start3A_74 = arith.constant 2 : i32
    %dma_start3A_75 = arith.constant 256 : i32
    %dma_start3A_76 = arith.constant 0 : i32
    %dma_start3A_77 = tpu.memref_slice %arg13[%dma_start3A_75, %dma_start3A_76] : memref<512x16xf32, #tpu.memory_space<vmem>> -> memref<128x16xf32, #tpu.memory_space<vmem>>
    %dma_start3A_78 = arith.constant 0 : i32
    %dma_start3A_79 = tpu.memref_slice %arg10[%dma_start3A_74, %dma_start3A_78] : memref<4x128xi32, #tpu.memory_space<vmem>> -> memref<1x128xi32, #tpu.memory_space<vmem>>
    %dma_start3A_80 = tpu.memref_squeeze %dma_start3A_79 : memref<1x128xi32, #tpu.memory_space<vmem>> -> memref<128xi32, #tpu.memory_space<vmem>>
    %dma_start3A_81 = arith.constant 0 : i32
    %dma_start3A_82 = arith.constant 0 : i32
    %dma_start3A_83 = tpu.memref_slice %arg6[%dma_start3A_81, %dma_start3A_82] : memref<1000000x16xf32, #tpu.memory_space<hbm>> -> memref<1000000x16xf32, #tpu.memory_space<hbm>>
    tpu.enqueue_indirect_dma source(%dma_start3A_83 : memref<1000000x16xf32, #tpu.memory_space<hbm>>) target(%dma_start3A_77 : memref<128x16xf32, #tpu.memory_space<vmem>>) offsets(%dma_start3A_80 : memref<128xi32, #tpu.memory_space<vmem>>) semaphore(%arg17 : memref<!tpu.dma_semaphore, #tpu.memory_space<semaphore_mem>>)
    %dma_start3A_84 = arith.constant 2 : i32
    %dma_start3A_85 = arith.constant 256 : i32
    %dma_start3A_86 = arith.constant 0 : i32
    %dma_start3A_87 = tpu.memref_slice %arg14[%dma_start3A_85, %dma_start3A_86] : memref<512x16xf32, #tpu.memory_space<vmem>> -> memref<128x16xf32, #tpu.memory_space<vmem>>
    %dma_start3A_88 = arith.constant 0 : i32
    %dma_start3A_89 = tpu.memref_slice %arg11[%dma_start3A_84, %dma_start3A_88] : memref<4x128xi32, #tpu.memory_space<vmem>> -> memref<1x128xi32, #tpu.memory_space<vmem>>
    %dma_start3A_90 = tpu.memref_squeeze %dma_start3A_89 : memref<1x128xi32, #tpu.memory_space<vmem>> -> memref<128xi32, #tpu.memory_space<vmem>>
    %dma_start3A_91 = arith.constant 0 : i32
    %dma_start3A_92 = arith.constant 0 : i32
    %dma_start3A_93 = tpu.memref_slice %arg6[%dma_start3A_91, %dma_start3A_92] : memref<1000000x16xf32, #tpu.memory_space<hbm>> -> memref<1000000x16xf32, #tpu.memory_space<hbm>>
    tpu.enqueue_indirect_dma source(%dma_start3A_93 : memref<1000000x16xf32, #tpu.memory_space<hbm>>) target(%dma_start3A_87 : memref<128x16xf32, #tpu.memory_space<vmem>>) offsets(%dma_start3A_90 : memref<128xi32, #tpu.memory_space<vmem>>) semaphore(%arg17 : memref<!tpu.dma_semaphore, #tpu.memory_space<semaphore_mem>>)
    %dma_start3A_94 = arith.constant 3 : i32
    %dma_start3A_95 = arith.constant 384 : i32
    %dma_start3A_96 = arith.constant 0 : i32
    %dma_start3A_97 = tpu.memref_slice %arg12[%dma_start3A_95, %dma_start3A_96] : memref<512x16xf32, #tpu.memory_space<vmem>> -> memref<128x16xf32, #tpu.memory_space<vmem>>
    %dma_start3A_98 = arith.constant 0 : i32
    %dma_start3A_99 = tpu.memref_slice %arg9[%dma_start3A_94, %dma_start3A_98] : memref<4x128xi32, #tpu.memory_space<vmem>> -> memref<1x128xi32, #tpu.memory_space<vmem>>
    %dma_start3A_100 = tpu.memref_squeeze %dma_start3A_99 : memref<1x128xi32, #tpu.memory_space<vmem>> -> memref<128xi32, #tpu.memory_space<vmem>>
    %dma_start3A_101 = arith.constant 0 : i32
    %dma_start3A_102 = arith.constant 0 : i32
    %dma_start3A_103 = tpu.memref_slice %arg5[%dma_start3A_101, %dma_start3A_102] : memref<1000000x16xf32, #tpu.memory_space<hbm>> -> memref<1000000x16xf32, #tpu.memory_space<hbm>>
    tpu.enqueue_indirect_dma source(%dma_start3A_103 : memref<1000000x16xf32, #tpu.memory_space<hbm>>) target(%dma_start3A_97 : memref<128x16xf32, #tpu.memory_space<vmem>>) offsets(%dma_start3A_100 : memref<128xi32, #tpu.memory_space<vmem>>) semaphore(%arg17 : memref<!tpu.dma_semaphore, #tpu.memory_space<semaphore_mem>>)
    %dma_start3A_104 = arith.constant 3 : i32
    %dma_start3A_105 = arith.constant 384 : i32
    %dma_start3A_106 = arith.constant 0 : i32
    %dma_start3A_107 = tpu.memref_slice %arg13[%dma_start3A_105, %dma_start3A_106] : memref<512x16xf32, #tpu.memory_space<vmem>> -> memref<128x16xf32, #tpu.memory_space<vmem>>
    %dma_start3A_108 = arith.constant 0 : i32
    %dma_start3A_109 = tpu.memref_slice %arg10[%dma_start3A_104, %dma_start3A_108] : memref<4x128xi32, #tpu.memory_space<vmem>> -> memref<1x128xi32, #tpu.memory_space<vmem>>
    %dma_start3A_110 = tpu.memref_squeeze %dma_start3A_109 : memref<1x128xi32, #tpu.memory_space<vmem>> -> memref<128xi32, #tpu.memory_space<vmem>>
    %dma_start3A_111 = arith.constant 0 : i32
    %dma_start3A_112 = arith.constant 0 : i32
    %dma_start3A_113 = tpu.memref_slice %arg6[%dma_start3A_111, %dma_start3A_112] : memref<1000000x16xf32, #tpu.memory_space<hbm>> -> memref<1000000x16xf32, #tpu.memory_space<hbm>>
    tpu.enqueue_indirect_dma source(%dma_start3A_113 : memref<1000000x16xf32, #tpu.memory_space<hbm>>) target(%dma_start3A_107 : memref<128x16xf32, #tpu.memory_space<vmem>>) offsets(%dma_start3A_110 : memref<128xi32, #tpu.memory_space<vmem>>) semaphore(%arg17 : memref<!tpu.dma_semaphore, #tpu.memory_space<semaphore_mem>>)
    %dma_start3A_114 = arith.constant 3 : i32
    %dma_start3A_115 = arith.constant 384 : i32
    %dma_start3A_116 = arith.constant 0 : i32
    %dma_start3A_117 = tpu.memref_slice %arg14[%dma_start3A_115, %dma_start3A_116] : memref<512x16xf32, #tpu.memory_space<vmem>> -> memref<128x16xf32, #tpu.memory_space<vmem>>
    %dma_start3A_118 = arith.constant 0 : i32
    %dma_start3A_119 = tpu.memref_slice %arg11[%dma_start3A_114, %dma_start3A_118] : memref<4x128xi32, #tpu.memory_space<vmem>> -> memref<1x128xi32, #tpu.memory_space<vmem>>
    %dma_start3A_120 = tpu.memref_squeeze %dma_start3A_119 : memref<1x128xi32, #tpu.memory_space<vmem>> -> memref<128xi32, #tpu.memory_space<vmem>>
    %dma_start3A_121 = arith.constant 0 : i32
    %dma_start3A_122 = arith.constant 0 : i32
    %dma_start3A_123 = tpu.memref_slice %arg6[%dma_start3A_121, %dma_start3A_122] : memref<1000000x16xf32, #tpu.memory_space<hbm>> -> memref<1000000x16xf32, #tpu.memory_space<hbm>>
    tpu.enqueue_indirect_dma source(%dma_start3A_123 : memref<1000000x16xf32, #tpu.memory_space<hbm>>) target(%dma_start3A_117 : memref<128x16xf32, #tpu.memory_space<vmem>>) offsets(%dma_start3A_120 : memref<128xi32, #tpu.memory_space<vmem>>) semaphore(%arg17 : memref<!tpu.dma_semaphore, #tpu.memory_space<semaphore_mem>>)
    %dma_wait3A = arith.constant 0 : i32
    %dma_wait3A_124 = arith.constant 0 : i32
    %dma_wait3A_125 = arith.constant 0 : i32
    %dma_wait3A_126 = tpu.memref_slice %arg12[%dma_wait3A_124, %dma_wait3A_125] : memref<512x16xf32, #tpu.memory_space<vmem>> -> memref<128x16xf32, #tpu.memory_space<vmem>>
    %dma_wait3A_127 = arith.constant 0 : i32
    %dma_wait3A_128 = tpu.memref_slice %arg9[%dma_wait3A, %dma_wait3A_127] : memref<4x128xi32, #tpu.memory_space<vmem>> -> memref<1x128xi32, #tpu.memory_space<vmem>>
    %dma_wait3A_129 = tpu.memref_squeeze %dma_wait3A_128 : memref<1x128xi32, #tpu.memory_space<vmem>> -> memref<128xi32, #tpu.memory_space<vmem>>
    %dma_wait3A_130 = arith.constant 0 : i32
    %dma_wait3A_131 = arith.constant 0 : i32
    %dma_wait3A_132 = tpu.memref_slice %arg5[%dma_wait3A_130, %dma_wait3A_131] : memref<1000000x16xf32, #tpu.memory_space<hbm>> -> memref<1000000x16xf32, #tpu.memory_space<hbm>>
    tpu.wait_indirect_dma semaphore(%arg17 : memref<!tpu.dma_semaphore, #tpu.memory_space<semaphore_mem>>) src(%dma_wait3A_132 : memref<1000000x16xf32, #tpu.memory_space<hbm>>) dst(%dma_wait3A_126 : memref<128x16xf32, #tpu.memory_space<vmem>>)
    %dma_wait3A_133 = arith.constant 0 : i32
    %dma_wait3A_134 = arith.constant 0 : i32
    %dma_wait3A_135 = arith.constant 0 : i32
    %dma_wait3A_136 = tpu.memref_slice %arg13[%dma_wait3A_134, %dma_wait3A_135] : memref<512x16xf32, #tpu.memory_space<vmem>> -> memref<128x16xf32, #tpu.memory_space<vmem>>
    %dma_wait3A_137 = arith.constant 0 : i32
    %dma_wait3A_138 = tpu.memref_slice %arg10[%dma_wait3A_133, %dma_wait3A_137] : memref<4x128xi32, #tpu.memory_space<vmem>> -> memref<1x128xi32, #tpu.memory_space<vmem>>
    %dma_wait3A_139 = tpu.memref_squeeze %dma_wait3A_138 : memref<1x128xi32, #tpu.memory_space<vmem>> -> memref<128xi32, #tpu.memory_space<vmem>>
    %dma_wait3A_140 = arith.constant 0 : i32
    %dma_wait3A_141 = arith.constant 0 : i32
    %dma_wait3A_142 = tpu.memref_slice %arg6[%dma_wait3A_140, %dma_wait3A_141] : memref<1000000x16xf32, #tpu.memory_space<hbm>> -> memref<1000000x16xf32, #tpu.memory_space<hbm>>
    tpu.wait_indirect_dma semaphore(%arg17 : memref<!tpu.dma_semaphore, #tpu.memory_space<semaphore_mem>>) src(%dma_wait3A_142 : memref<1000000x16xf32, #tpu.memory_space<hbm>>) dst(%dma_wait3A_136 : memref<128x16xf32, #tpu.memory_space<vmem>>)
    %dma_wait3A_143 = arith.constant 0 : i32
    %dma_wait3A_144 = arith.constant 0 : i32
    %dma_wait3A_145 = arith.constant 0 : i32
    %dma_wait3A_146 = tpu.memref_slice %arg14[%dma_wait3A_144, %dma_wait3A_145] : memref<512x16xf32, #tpu.memory_space<vmem>> -> memref<128x16xf32, #tpu.memory_space<vmem>>
    %dma_wait3A_147 = arith.constant 0 : i32
    %dma_wait3A_148 = tpu.memref_slice %arg11[%dma_wait3A_143, %dma_wait3A_147] : memref<4x128xi32, #tpu.memory_space<vmem>> -> memref<1x128xi32, #tpu.memory_space<vmem>>
    %dma_wait3A_149 = tpu.memref_squeeze %dma_wait3A_148 : memref<1x128xi32, #tpu.memory_space<vmem>> -> memref<128xi32, #tpu.memory_space<vmem>>
    %dma_wait3A_150 = arith.constant 0 : i32
    %dma_wait3A_151 = arith.constant 0 : i32
    %dma_wait3A_152 = tpu.memref_slice %arg6[%dma_wait3A_150, %dma_wait3A_151] : memref<1000000x16xf32, #tpu.memory_space<hbm>> -> memref<1000000x16xf32, #tpu.memory_space<hbm>>
    tpu.wait_indirect_dma semaphore(%arg17 : memref<!tpu.dma_semaphore, #tpu.memory_space<semaphore_mem>>) src(%dma_wait3A_152 : memref<1000000x16xf32, #tpu.memory_space<hbm>>) dst(%dma_wait3A_146 : memref<128x16xf32, #tpu.memory_space<vmem>>)
    %dma_wait3A_153 = arith.constant 1 : i32
    %dma_wait3A_154 = arith.constant 128 : i32
    %dma_wait3A_155 = arith.constant 0 : i32
    %dma_wait3A_156 = tpu.memref_slice %arg12[%dma_wait3A_154, %dma_wait3A_155] : memref<512x16xf32, #tpu.memory_space<vmem>> -> memref<128x16xf32, #tpu.memory_space<vmem>>
    %dma_wait3A_157 = arith.constant 0 : i32
    %dma_wait3A_158 = tpu.memref_slice %arg9[%dma_wait3A_153, %dma_wait3A_157] : memref<4x128xi32, #tpu.memory_space<vmem>> -> memref<1x128xi32, #tpu.memory_space<vmem>>
    %dma_wait3A_159 = tpu.memref_squeeze %dma_wait3A_158 : memref<1x128xi32, #tpu.memory_space<vmem>> -> memref<128xi32, #tpu.memory_space<vmem>>
    %dma_wait3A_160 = arith.constant 0 : i32
    %dma_wait3A_161 = arith.constant 0 : i32
    %dma_wait3A_162 = tpu.memref_slice %arg5[%dma_wait3A_160, %dma_wait3A_161] : memref<1000000x16xf32, #tpu.memory_space<hbm>> -> memref<1000000x16xf32, #tpu.memory_space<hbm>>
    tpu.wait_indirect_dma semaphore(%arg17 : memref<!tpu.dma_semaphore, #tpu.memory_space<semaphore_mem>>) src(%dma_wait3A_162 : memref<1000000x16xf32, #tpu.memory_space<hbm>>) dst(%dma_wait3A_156 : memref<128x16xf32, #tpu.memory_space<vmem>>)
    %dma_wait3A_163 = arith.constant 1 : i32
    %dma_wait3A_164 = arith.constant 128 : i32
    %dma_wait3A_165 = arith.constant 0 : i32
    %dma_wait3A_166 = tpu.memref_slice %arg13[%dma_wait3A_164, %dma_wait3A_165] : memref<512x16xf32, #tpu.memory_space<vmem>> -> memref<128x16xf32, #tpu.memory_space<vmem>>
    %dma_wait3A_167 = arith.constant 0 : i32
    %dma_wait3A_168 = tpu.memref_slice %arg10[%dma_wait3A_163, %dma_wait3A_167] : memref<4x128xi32, #tpu.memory_space<vmem>> -> memref<1x128xi32, #tpu.memory_space<vmem>>
    %dma_wait3A_169 = tpu.memref_squeeze %dma_wait3A_168 : memref<1x128xi32, #tpu.memory_space<vmem>> -> memref<128xi32, #tpu.memory_space<vmem>>
    %dma_wait3A_170 = arith.constant 0 : i32
    %dma_wait3A_171 = arith.constant 0 : i32
    %dma_wait3A_172 = tpu.memref_slice %arg6[%dma_wait3A_170, %dma_wait3A_171] : memref<1000000x16xf32, #tpu.memory_space<hbm>> -> memref<1000000x16xf32, #tpu.memory_space<hbm>>
    tpu.wait_indirect_dma semaphore(%arg17 : memref<!tpu.dma_semaphore, #tpu.memory_space<semaphore_mem>>) src(%dma_wait3A_172 : memref<1000000x16xf32, #tpu.memory_space<hbm>>) dst(%dma_wait3A_166 : memref<128x16xf32, #tpu.memory_space<vmem>>)
    %dma_wait3A_173 = arith.constant 1 : i32
    %dma_wait3A_174 = arith.constant 128 : i32
    %dma_wait3A_175 = arith.constant 0 : i32
    %dma_wait3A_176 = tpu.memref_slice %arg14[%dma_wait3A_174, %dma_wait3A_175] : memref<512x16xf32, #tpu.memory_space<vmem>> -> memref<128x16xf32, #tpu.memory_space<vmem>>
    %dma_wait3A_177 = arith.constant 0 : i32
    %dma_wait3A_178 = tpu.memref_slice %arg11[%dma_wait3A_173, %dma_wait3A_177] : memref<4x128xi32, #tpu.memory_space<vmem>> -> memref<1x128xi32, #tpu.memory_space<vmem>>
    %dma_wait3A_179 = tpu.memref_squeeze %dma_wait3A_178 : memref<1x128xi32, #tpu.memory_space<vmem>> -> memref<128xi32, #tpu.memory_space<vmem>>
    %dma_wait3A_180 = arith.constant 0 : i32
    %dma_wait3A_181 = arith.constant 0 : i32
    %dma_wait3A_182 = tpu.memref_slice %arg6[%dma_wait3A_180, %dma_wait3A_181] : memref<1000000x16xf32, #tpu.memory_space<hbm>> -> memref<1000000x16xf32, #tpu.memory_space<hbm>>
    tpu.wait_indirect_dma semaphore(%arg17 : memref<!tpu.dma_semaphore, #tpu.memory_space<semaphore_mem>>) src(%dma_wait3A_182 : memref<1000000x16xf32, #tpu.memory_space<hbm>>) dst(%dma_wait3A_176 : memref<128x16xf32, #tpu.memory_space<vmem>>)
    %dma_wait3A_183 = arith.constant 2 : i32
    %dma_wait3A_184 = arith.constant 256 : i32
    %dma_wait3A_185 = arith.constant 0 : i32
    %dma_wait3A_186 = tpu.memref_slice %arg12[%dma_wait3A_184, %dma_wait3A_185] : memref<512x16xf32, #tpu.memory_space<vmem>> -> memref<128x16xf32, #tpu.memory_space<vmem>>
    %dma_wait3A_187 = arith.constant 0 : i32
    %dma_wait3A_188 = tpu.memref_slice %arg9[%dma_wait3A_183, %dma_wait3A_187] : memref<4x128xi32, #tpu.memory_space<vmem>> -> memref<1x128xi32, #tpu.memory_space<vmem>>
    %dma_wait3A_189 = tpu.memref_squeeze %dma_wait3A_188 : memref<1x128xi32, #tpu.memory_space<vmem>> -> memref<128xi32, #tpu.memory_space<vmem>>
    %dma_wait3A_190 = arith.constant 0 : i32
    %dma_wait3A_191 = arith.constant 0 : i32
    %dma_wait3A_192 = tpu.memref_slice %arg5[%dma_wait3A_190, %dma_wait3A_191] : memref<1000000x16xf32, #tpu.memory_space<hbm>> -> memref<1000000x16xf32, #tpu.memory_space<hbm>>
    tpu.wait_indirect_dma semaphore(%arg17 : memref<!tpu.dma_semaphore, #tpu.memory_space<semaphore_mem>>) src(%dma_wait3A_192 : memref<1000000x16xf32, #tpu.memory_space<hbm>>) dst(%dma_wait3A_186 : memref<128x16xf32, #tpu.memory_space<vmem>>)
    %dma_wait3A_193 = arith.constant 2 : i32
    %dma_wait3A_194 = arith.constant 256 : i32
    %dma_wait3A_195 = arith.constant 0 : i32
    %dma_wait3A_196 = tpu.memref_slice %arg13[%dma_wait3A_194, %dma_wait3A_195] : memref<512x16xf32, #tpu.memory_space<vmem>> -> memref<128x16xf32, #tpu.memory_space<vmem>>
    %dma_wait3A_197 = arith.constant 0 : i32
    %dma_wait3A_198 = tpu.memref_slice %arg10[%dma_wait3A_193, %dma_wait3A_197] : memref<4x128xi32, #tpu.memory_space<vmem>> -> memref<1x128xi32, #tpu.memory_space<vmem>>
    %dma_wait3A_199 = tpu.memref_squeeze %dma_wait3A_198 : memref<1x128xi32, #tpu.memory_space<vmem>> -> memref<128xi32, #tpu.memory_space<vmem>>
    %dma_wait3A_200 = arith.constant 0 : i32
    %dma_wait3A_201 = arith.constant 0 : i32
    %dma_wait3A_202 = tpu.memref_slice %arg6[%dma_wait3A_200, %dma_wait3A_201] : memref<1000000x16xf32, #tpu.memory_space<hbm>> -> memref<1000000x16xf32, #tpu.memory_space<hbm>>
    tpu.wait_indirect_dma semaphore(%arg17 : memref<!tpu.dma_semaphore, #tpu.memory_space<semaphore_mem>>) src(%dma_wait3A_202 : memref<1000000x16xf32, #tpu.memory_space<hbm>>) dst(%dma_wait3A_196 : memref<128x16xf32, #tpu.memory_space<vmem>>)
    %dma_wait3A_203 = arith.constant 2 : i32
    %dma_wait3A_204 = arith.constant 256 : i32
    %dma_wait3A_205 = arith.constant 0 : i32
    %dma_wait3A_206 = tpu.memref_slice %arg14[%dma_wait3A_204, %dma_wait3A_205] : memref<512x16xf32, #tpu.memory_space<vmem>> -> memref<128x16xf32, #tpu.memory_space<vmem>>
    %dma_wait3A_207 = arith.constant 0 : i32
    %dma_wait3A_208 = tpu.memref_slice %arg11[%dma_wait3A_203, %dma_wait3A_207] : memref<4x128xi32, #tpu.memory_space<vmem>> -> memref<1x128xi32, #tpu.memory_space<vmem>>
    %dma_wait3A_209 = tpu.memref_squeeze %dma_wait3A_208 : memref<1x128xi32, #tpu.memory_space<vmem>> -> memref<128xi32, #tpu.memory_space<vmem>>
    %dma_wait3A_210 = arith.constant 0 : i32
    %dma_wait3A_211 = arith.constant 0 : i32
    %dma_wait3A_212 = tpu.memref_slice %arg6[%dma_wait3A_210, %dma_wait3A_211] : memref<1000000x16xf32, #tpu.memory_space<hbm>> -> memref<1000000x16xf32, #tpu.memory_space<hbm>>
    tpu.wait_indirect_dma semaphore(%arg17 : memref<!tpu.dma_semaphore, #tpu.memory_space<semaphore_mem>>) src(%dma_wait3A_212 : memref<1000000x16xf32, #tpu.memory_space<hbm>>) dst(%dma_wait3A_206 : memref<128x16xf32, #tpu.memory_space<vmem>>)
    %dma_wait3A_213 = arith.constant 3 : i32
    %dma_wait3A_214 = arith.constant 384 : i32
    %dma_wait3A_215 = arith.constant 0 : i32
    %dma_wait3A_216 = tpu.memref_slice %arg12[%dma_wait3A_214, %dma_wait3A_215] : memref<512x16xf32, #tpu.memory_space<vmem>> -> memref<128x16xf32, #tpu.memory_space<vmem>>
    %dma_wait3A_217 = arith.constant 0 : i32
    %dma_wait3A_218 = tpu.memref_slice %arg9[%dma_wait3A_213, %dma_wait3A_217] : memref<4x128xi32, #tpu.memory_space<vmem>> -> memref<1x128xi32, #tpu.memory_space<vmem>>
    %dma_wait3A_219 = tpu.memref_squeeze %dma_wait3A_218 : memref<1x128xi32, #tpu.memory_space<vmem>> -> memref<128xi32, #tpu.memory_space<vmem>>
    %dma_wait3A_220 = arith.constant 0 : i32
    %dma_wait3A_221 = arith.constant 0 : i32
    %dma_wait3A_222 = tpu.memref_slice %arg5[%dma_wait3A_220, %dma_wait3A_221] : memref<1000000x16xf32, #tpu.memory_space<hbm>> -> memref<1000000x16xf32, #tpu.memory_space<hbm>>
    tpu.wait_indirect_dma semaphore(%arg17 : memref<!tpu.dma_semaphore, #tpu.memory_space<semaphore_mem>>) src(%dma_wait3A_222 : memref<1000000x16xf32, #tpu.memory_space<hbm>>) dst(%dma_wait3A_216 : memref<128x16xf32, #tpu.memory_space<vmem>>)
    %dma_wait3A_223 = arith.constant 3 : i32
    %dma_wait3A_224 = arith.constant 384 : i32
    %dma_wait3A_225 = arith.constant 0 : i32
    %dma_wait3A_226 = tpu.memref_slice %arg13[%dma_wait3A_224, %dma_wait3A_225] : memref<512x16xf32, #tpu.memory_space<vmem>> -> memref<128x16xf32, #tpu.memory_space<vmem>>
    %dma_wait3A_227 = arith.constant 0 : i32
    %dma_wait3A_228 = tpu.memref_slice %arg10[%dma_wait3A_223, %dma_wait3A_227] : memref<4x128xi32, #tpu.memory_space<vmem>> -> memref<1x128xi32, #tpu.memory_space<vmem>>
    %dma_wait3A_229 = tpu.memref_squeeze %dma_wait3A_228 : memref<1x128xi32, #tpu.memory_space<vmem>> -> memref<128xi32, #tpu.memory_space<vmem>>
    %dma_wait3A_230 = arith.constant 0 : i32
    %dma_wait3A_231 = arith.constant 0 : i32
    %dma_wait3A_232 = tpu.memref_slice %arg6[%dma_wait3A_230, %dma_wait3A_231] : memref<1000000x16xf32, #tpu.memory_space<hbm>> -> memref<1000000x16xf32, #tpu.memory_space<hbm>>
    tpu.wait_indirect_dma semaphore(%arg17 : memref<!tpu.dma_semaphore, #tpu.memory_space<semaphore_mem>>) src(%dma_wait3A_232 : memref<1000000x16xf32, #tpu.memory_space<hbm>>) dst(%dma_wait3A_226 : memref<128x16xf32, #tpu.memory_space<vmem>>)
    %dma_wait3A_233 = arith.constant 3 : i32
    %dma_wait3A_234 = arith.constant 384 : i32
    %dma_wait3A_235 = arith.constant 0 : i32
    %dma_wait3A_236 = tpu.memref_slice %arg14[%dma_wait3A_234, %dma_wait3A_235] : memref<512x16xf32, #tpu.memory_space<vmem>> -> memref<128x16xf32, #tpu.memory_space<vmem>>
    %dma_wait3A_237 = arith.constant 0 : i32
    %dma_wait3A_238 = tpu.memref_slice %arg11[%dma_wait3A_233, %dma_wait3A_237] : memref<4x128xi32, #tpu.memory_space<vmem>> -> memref<1x128xi32, #tpu.memory_space<vmem>>
    %dma_wait3A_239 = tpu.memref_squeeze %dma_wait3A_238 : memref<1x128xi32, #tpu.memory_space<vmem>> -> memref<128xi32, #tpu.memory_space<vmem>>
    %dma_wait3A_240 = arith.constant 0 : i32
    %dma_wait3A_241 = arith.constant 0 : i32
    %dma_wait3A_242 = tpu.memref_slice %arg6[%dma_wait3A_240, %dma_wait3A_241] : memref<1000000x16xf32, #tpu.memory_space<hbm>> -> memref<1000000x16xf32, #tpu.memory_space<hbm>>
    tpu.wait_indirect_dma semaphore(%arg17 : memref<!tpu.dma_semaphore, #tpu.memory_space<semaphore_mem>>) src(%dma_wait3A_242 : memref<1000000x16xf32, #tpu.memory_space<hbm>>) dst(%dma_wait3A_236 : memref<128x16xf32, #tpu.memory_space<vmem>>)
    %iota3A = tpu.iota {dimensions = array<i32: 0>} : vector<16xi32>
    %scan3A = arith.constant 0 : i32
    %scan3A_243 = arith.constant 0 : i32
    %scan3A_244 = arith.constant 32 : i32
    %scan3A_245 = arith.addi %scan3A_243, %scan3A_244 : i32
    %scan3A_246 = arith.constant 1 : i32
    scf.for %scan3A_248 = %scan3A_243 to %scan3A_245 step %scan3A_246  : i32 {
      %mul3A_249 = arith.constant 16 : i32
      %mul3A_250 = arith.muli %scan3A_248, %mul3A_249 : i32
      %add3A_251 = vector.broadcast %mul3A_250 : i32 to vector<16xi32>
      %add3A_252 = arith.addi %add3A_251, %iota3A : vector<16xi32>
      %broadcast_in_dim3A = arith.constant 0.000000e+00 : f32
      %broadcast_in_dim3A_253 = vector.broadcast %broadcast_in_dim3A : f32 to vector<16xf32>
      %broadcast_in_dim3A_254 = arith.constant 0.000000e+00 : f32
      %broadcast_in_dim3A_255 = vector.broadcast %broadcast_in_dim3A_254 : f32 to vector<16xf32>
      %broadcast_in_dim3A_256 = arith.constant 0 : i32
      %broadcast_in_dim3A_257 = vector.broadcast %broadcast_in_dim3A_256 : i32 to vector<16xi32>
      %gather3A = tpu.vector_load_idx %arg12[%add3A_252, %broadcast_in_dim3A_257] : memref<512x16xf32, #tpu.memory_space<vmem>>[vector<16xi32>, vector<16xi32>], vector<16xf32>,
      %gather3A_258 = tpu.vector_load_idx %arg13[%add3A_252, %broadcast_in_dim3A_257] : memref<512x16xf32, #tpu.memory_space<vmem>>[vector<16xi32>, vector<16xi32>], vector<16xf32>,
      %gather3A_259 = tpu.vector_load_idx %arg14[%add3A_252, %broadcast_in_dim3A_257] : memref<512x16xf32, #tpu.memory_space<vmem>>[vector<16xi32>, vector<16xi32>], vector<16xf32>,
      %mul3A_260 = arith.mulf %gather3A, %gather3A_258 : vector<16xf32>
      %add3A_261 = arith.addf %broadcast_in_dim3A_253, %mul3A_260 : vector<16xf32>
      %mul3A_262 = arith.mulf %gather3A, %gather3A_259 : vector<16xf32>
      %add3A_263 = arith.addf %broadcast_in_dim3A_255, %mul3A_262 : vector<16xf32>
      %broadcast_in_dim3A_264 = arith.constant 1 : i32
      %broadcast_in_dim3A_265 = vector.broadcast %broadcast_in_dim3A_264 : i32 to vector<16xi32>
      %gather3A_266 = tpu.vector_load_idx %arg12[%add3A_252, %broadcast_in_dim3A_265] : memref<512x16xf32, #tpu.memory_space<vmem>>[vector<16xi32>, vector<16xi32>], vector<16xf32>,
      %gather3A_267 = tpu.vector_load_idx %arg13[%add3A_252, %broadcast_in_dim3A_265] : memref<512x16xf32, #tpu.memory_space<vmem>>[vector<16xi32>, vector<16xi32>], vector<16xf32>,
      %gather3A_268 = tpu.vector_load_idx %arg14[%add3A_252, %broadcast_in_dim3A_265] : memref<512x16xf32, #tpu.memory_space<vmem>>[vector<16xi32>, vector<16xi32>], vector<16xf32>,
      %mul3A_269 = arith.mulf %gather3A_266, %gather3A_267 : vector<16xf32>
      %add3A_270 = arith.addf %add3A_261, %mul3A_269 : vector<16xf32>
      %mul3A_271 = arith.mulf %gather3A_266, %gather3A_268 : vector<16xf32>
      %add3A_272 = arith.addf %add3A_263, %mul3A_271 : vector<16xf32>
      %broadcast_in_dim3A_273 = arith.constant 2 : i32
      %broadcast_in_dim3A_274 = vector.broadcast %broadcast_in_dim3A_273 : i32 to vector<16xi32>
      %gather3A_275 = tpu.vector_load_idx %arg12[%add3A_252, %broadcast_in_dim3A_274] : memref<512x16xf32, #tpu.memory_space<vmem>>[vector<16xi32>, vector<16xi32>], vector<16xf32>,
      %gather3A_276 = tpu.vector_load_idx %arg13[%add3A_252, %broadcast_in_dim3A_274] : memref<512x16xf32, #tpu.memory_space<vmem>>[vector<16xi32>, vector<16xi32>], vector<16xf32>,
      %gather3A_277 = tpu.vector_load_idx %arg14[%add3A_252, %broadcast_in_dim3A_274] : memref<512x16xf32, #tpu.memory_space<vmem>>[vector<16xi32>, vector<16xi32>], vector<16xf32>,
      %mul3A_278 = arith.mulf %gather3A_275, %gather3A_276 : vector<16xf32>
      %add3A_279 = arith.addf %add3A_270, %mul3A_278 : vector<16xf32>
      %mul3A_280 = arith.mulf %gather3A_275, %gather3A_277 : vector<16xf32>
      %add3A_281 = arith.addf %add3A_272, %mul3A_280 : vector<16xf32>
      %broadcast_in_dim3A_282 = arith.constant 3 : i32
      %broadcast_in_dim3A_283 = vector.broadcast %broadcast_in_dim3A_282 : i32 to vector<16xi32>
      %gather3A_284 = tpu.vector_load_idx %arg12[%add3A_252, %broadcast_in_dim3A_283] : memref<512x16xf32, #tpu.memory_space<vmem>>[vector<16xi32>, vector<16xi32>], vector<16xf32>,
      %gather3A_285 = tpu.vector_load_idx %arg13[%add3A_252, %broadcast_in_dim3A_283] : memref<512x16xf32, #tpu.memory_space<vmem>>[vector<16xi32>, vector<16xi32>], vector<16xf32>,
      %gather3A_286 = tpu.vector_load_idx %arg14[%add3A_252, %broadcast_in_dim3A_283] : memref<512x16xf32, #tpu.memory_space<vmem>>[vector<16xi32>, vector<16xi32>], vector<16xf32>,
      %mul3A_287 = arith.mulf %gather3A_284, %gather3A_285 : vector<16xf32>
      %add3A_288 = arith.addf %add3A_279, %mul3A_287 : vector<16xf32>
      %mul3A_289 = arith.mulf %gather3A_284, %gather3A_286 : vector<16xf32>
      %add3A_290 = arith.addf %add3A_281, %mul3A_289 : vector<16xf32>
      %broadcast_in_dim3A_291 = arith.constant 4 : i32
      %broadcast_in_dim3A_292 = vector.broadcast %broadcast_in_dim3A_291 : i32 to vector<16xi32>
      %gather3A_293 = tpu.vector_load_idx %arg12[%add3A_252, %broadcast_in_dim3A_292] : memref<512x16xf32, #tpu.memory_space<vmem>>[vector<16xi32>, vector<16xi32>], vector<16xf32>,
      %gather3A_294 = tpu.vector_load_idx %arg13[%add3A_252, %broadcast_in_dim3A_292] : memref<512x16xf32, #tpu.memory_space<vmem>>[vector<16xi32>, vector<16xi32>], vector<16xf32>,
      %gather3A_295 = tpu.vector_load_idx %arg14[%add3A_252, %broadcast_in_dim3A_292] : memref<512x16xf32, #tpu.memory_space<vmem>>[vector<16xi32>, vector<16xi32>], vector<16xf32>,
      %mul3A_296 = arith.mulf %gather3A_293, %gather3A_294 : vector<16xf32>
      %add3A_297 = arith.addf %add3A_288, %mul3A_296 : vector<16xf32>
      %mul3A_298 = arith.mulf %gather3A_293, %gather3A_295 : vector<16xf32>
      %add3A_299 = arith.addf %add3A_290, %mul3A_298 : vector<16xf32>
      %broadcast_in_dim3A_300 = arith.constant 5 : i32
      %broadcast_in_dim3A_301 = vector.broadcast %broadcast_in_dim3A_300 : i32 to vector<16xi32>
      %gather3A_302 = tpu.vector_load_idx %arg12[%add3A_252, %broadcast_in_dim3A_301] : memref<512x16xf32, #tpu.memory_space<vmem>>[vector<16xi32>, vector<16xi32>], vector<16xf32>,
      %gather3A_303 = tpu.vector_load_idx %arg13[%add3A_252, %broadcast_in_dim3A_301] : memref<512x16xf32, #tpu.memory_space<vmem>>[vector<16xi32>, vector<16xi32>], vector<16xf32>,
      %gather3A_304 = tpu.vector_load_idx %arg14[%add3A_252, %broadcast_in_dim3A_301] : memref<512x16xf32, #tpu.memory_space<vmem>>[vector<16xi32>, vector<16xi32>], vector<16xf32>,
      %mul3A_305 = arith.mulf %gather3A_302, %gather3A_303 : vector<16xf32>
      %add3A_306 = arith.addf %add3A_297, %mul3A_305 : vector<16xf32>
      %mul3A_307 = arith.mulf %gather3A_302, %gather3A_304 : vector<16xf32>
      %add3A_308 = arith.addf %add3A_299, %mul3A_307 : vector<16xf32>
      %broadcast_in_dim3A_309 = arith.constant 6 : i32
      %broadcast_in_dim3A_310 = vector.broadcast %broadcast_in_dim3A_309 : i32 to vector<16xi32>
      %gather3A_311 = tpu.vector_load_idx %arg12[%add3A_252, %broadcast_in_dim3A_310] : memref<512x16xf32, #tpu.memory_space<vmem>>[vector<16xi32>, vector<16xi32>], vector<16xf32>,
      %gather3A_312 = tpu.vector_load_idx %arg13[%add3A_252, %broadcast_in_dim3A_310] : memref<512x16xf32, #tpu.memory_space<vmem>>[vector<16xi32>, vector<16xi32>], vector<16xf32>,
      %gather3A_313 = tpu.vector_load_idx %arg14[%add3A_252, %broadcast_in_dim3A_310] : memref<512x16xf32, #tpu.memory_space<vmem>>[vector<16xi32>, vector<16xi32>], vector<16xf32>,
      %mul3A_314 = arith.mulf %gather3A_311, %gather3A_312 : vector<16xf32>
      %add3A_315 = arith.addf %add3A_306, %mul3A_314 : vector<16xf32>
      %mul3A_316 = arith.mulf %gather3A_311, %gather3A_313 : vector<16xf32>
      %add3A_317 = arith.addf %add3A_308, %mul3A_316 : vector<16xf32>
      %broadcast_in_dim3A_318 = arith.constant 7 : i32
      %broadcast_in_dim3A_319 = vector.broadcast %broadcast_in_dim3A_318 : i32 to vector<16xi32>
      %gather3A_320 = tpu.vector_load_idx %arg12[%add3A_252, %broadcast_in_dim3A_319] : memref<512x16xf32, #tpu.memory_space<vmem>>[vector<16xi32>, vector<16xi32>], vector<16xf32>,
      %gather3A_321 = tpu.vector_load_idx %arg13[%add3A_252, %broadcast_in_dim3A_319] : memref<512x16xf32, #tpu.memory_space<vmem>>[vector<16xi32>, vector<16xi32>], vector<16xf32>,
      %gather3A_322 = tpu.vector_load_idx %arg14[%add3A_252, %broadcast_in_dim3A_319] : memref<512x16xf32, #tpu.memory_space<vmem>>[vector<16xi32>, vector<16xi32>], vector<16xf32>,
      %mul3A_323 = arith.mulf %gather3A_320, %gather3A_321 : vector<16xf32>
      %add3A_324 = arith.addf %add3A_315, %mul3A_323 : vector<16xf32>
      %mul3A_325 = arith.mulf %gather3A_320, %gather3A_322 : vector<16xf32>
      %add3A_326 = arith.addf %add3A_317, %mul3A_325 : vector<16xf32>
      %broadcast_in_dim3A_327 = arith.constant 8 : i32
      %broadcast_in_dim3A_328 = vector.broadcast %broadcast_in_dim3A_327 : i32 to vector<16xi32>
      %gather3A_329 = tpu.vector_load_idx %arg12[%add3A_252, %broadcast_in_dim3A_328] : memref<512x16xf32, #tpu.memory_space<vmem>>[vector<16xi32>, vector<16xi32>], vector<16xf32>,
      %gather3A_330 = tpu.vector_load_idx %arg13[%add3A_252, %broadcast_in_dim3A_328] : memref<512x16xf32, #tpu.memory_space<vmem>>[vector<16xi32>, vector<16xi32>], vector<16xf32>,
      %gather3A_331 = tpu.vector_load_idx %arg14[%add3A_252, %broadcast_in_dim3A_328] : memref<512x16xf32, #tpu.memory_space<vmem>>[vector<16xi32>, vector<16xi32>], vector<16xf32>,
      %mul3A_332 = arith.mulf %gather3A_329, %gather3A_330 : vector<16xf32>
      %add3A_333 = arith.addf %add3A_324, %mul3A_332 : vector<16xf32>
      %mul3A_334 = arith.mulf %gather3A_329, %gather3A_331 : vector<16xf32>
      %add3A_335 = arith.addf %add3A_326, %mul3A_334 : vector<16xf32>
      %broadcast_in_dim3A_336 = arith.constant 9 : i32
      %broadcast_in_dim3A_337 = vector.broadcast %broadcast_in_dim3A_336 : i32 to vector<16xi32>
      %gather3A_338 = tpu.vector_load_idx %arg12[%add3A_252, %broadcast_in_dim3A_337] : memref<512x16xf32, #tpu.memory_space<vmem>>[vector<16xi32>, vector<16xi32>], vector<16xf32>,
      %gather3A_339 = tpu.vector_load_idx %arg13[%add3A_252, %broadcast_in_dim3A_337] : memref<512x16xf32, #tpu.memory_space<vmem>>[vector<16xi32>, vector<16xi32>], vector<16xf32>,
      %gather3A_340 = tpu.vector_load_idx %arg14[%add3A_252, %broadcast_in_dim3A_337] : memref<512x16xf32, #tpu.memory_space<vmem>>[vector<16xi32>, vector<16xi32>], vector<16xf32>,
      %mul3A_341 = arith.mulf %gather3A_338, %gather3A_339 : vector<16xf32>
      %add3A_342 = arith.addf %add3A_333, %mul3A_341 : vector<16xf32>
      %mul3A_343 = arith.mulf %gather3A_338, %gather3A_340 : vector<16xf32>
      %add3A_344 = arith.addf %add3A_335, %mul3A_343 : vector<16xf32>
      %broadcast_in_dim3A_345 = arith.constant 10 : i32
      %broadcast_in_dim3A_346 = vector.broadcast %broadcast_in_dim3A_345 : i32 to vector<16xi32>
      %gather3A_347 = tpu.vector_load_idx %arg12[%add3A_252, %broadcast_in_dim3A_346] : memref<512x16xf32, #tpu.memory_space<vmem>>[vector<16xi32>, vector<16xi32>], vector<16xf32>,
      %gather3A_348 = tpu.vector_load_idx %arg13[%add3A_252, %broadcast_in_dim3A_346] : memref<512x16xf32, #tpu.memory_space<vmem>>[vector<16xi32>, vector<16xi32>], vector<16xf32>,
      %gather3A_349 = tpu.vector_load_idx %arg14[%add3A_252, %broadcast_in_dim3A_346] : memref<512x16xf32, #tpu.memory_space<vmem>>[vector<16xi32>, vector<16xi32>], vector<16xf32>,
      %mul3A_350 = arith.mulf %gather3A_347, %gather3A_348 : vector<16xf32>
      %add3A_351 = arith.addf %add3A_342, %mul3A_350 : vector<16xf32>
      %mul3A_352 = arith.mulf %gather3A_347, %gather3A_349 : vector<16xf32>
      %add3A_353 = arith.addf %add3A_344, %mul3A_352 : vector<16xf32>
      %broadcast_in_dim3A_354 = arith.constant 11 : i32
      %broadcast_in_dim3A_355 = vector.broadcast %broadcast_in_dim3A_354 : i32 to vector<16xi32>
      %gather3A_356 = tpu.vector_load_idx %arg12[%add3A_252, %broadcast_in_dim3A_355] : memref<512x16xf32, #tpu.memory_space<vmem>>[vector<16xi32>, vector<16xi32>], vector<16xf32>,
      %gather3A_357 = tpu.vector_load_idx %arg13[%add3A_252, %broadcast_in_dim3A_355] : memref<512x16xf32, #tpu.memory_space<vmem>>[vector<16xi32>, vector<16xi32>], vector<16xf32>,
      %gather3A_358 = tpu.vector_load_idx %arg14[%add3A_252, %broadcast_in_dim3A_355] : memref<512x16xf32, #tpu.memory_space<vmem>>[vector<16xi32>, vector<16xi32>], vector<16xf32>,
      %mul3A_359 = arith.mulf %gather3A_356, %gather3A_357 : vector<16xf32>
      %add3A_360 = arith.addf %add3A_351, %mul3A_359 : vector<16xf32>
      %mul3A_361 = arith.mulf %gather3A_356, %gather3A_358 : vector<16xf32>
      %add3A_362 = arith.addf %add3A_353, %mul3A_361 : vector<16xf32>
      %broadcast_in_dim3A_363 = arith.constant 12 : i32
      %broadcast_in_dim3A_364 = vector.broadcast %broadcast_in_dim3A_363 : i32 to vector<16xi32>
      %gather3A_365 = tpu.vector_load_idx %arg12[%add3A_252, %broadcast_in_dim3A_364] : memref<512x16xf32, #tpu.memory_space<vmem>>[vector<16xi32>, vector<16xi32>], vector<16xf32>,
      %gather3A_366 = tpu.vector_load_idx %arg13[%add3A_252, %broadcast_in_dim3A_364] : memref<512x16xf32, #tpu.memory_space<vmem>>[vector<16xi32>, vector<16xi32>], vector<16xf32>,
      %gather3A_367 = tpu.vector_load_idx %arg14[%add3A_252, %broadcast_in_dim3A_364] : memref<512x16xf32, #tpu.memory_space<vmem>>[vector<16xi32>, vector<16xi32>], vector<16xf32>,
      %mul3A_368 = arith.mulf %gather3A_365, %gather3A_366 : vector<16xf32>
      %add3A_369 = arith.addf %add3A_360, %mul3A_368 : vector<16xf32>
      %mul3A_370 = arith.mulf %gather3A_365, %gather3A_367 : vector<16xf32>
      %add3A_371 = arith.addf %add3A_362, %mul3A_370 : vector<16xf32>
      %broadcast_in_dim3A_372 = arith.constant 13 : i32
      %broadcast_in_dim3A_373 = vector.broadcast %broadcast_in_dim3A_372 : i32 to vector<16xi32>
      %gather3A_374 = tpu.vector_load_idx %arg12[%add3A_252, %broadcast_in_dim3A_373] : memref<512x16xf32, #tpu.memory_space<vmem>>[vector<16xi32>, vector<16xi32>], vector<16xf32>,
      %gather3A_375 = tpu.vector_load_idx %arg13[%add3A_252, %broadcast_in_dim3A_373] : memref<512x16xf32, #tpu.memory_space<vmem>>[vector<16xi32>, vector<16xi32>], vector<16xf32>,
      %gather3A_376 = tpu.vector_load_idx %arg14[%add3A_252, %broadcast_in_dim3A_373] : memref<512x16xf32, #tpu.memory_space<vmem>>[vector<16xi32>, vector<16xi32>], vector<16xf32>,
      %mul3A_377 = arith.mulf %gather3A_374, %gather3A_375 : vector<16xf32>
      %add3A_378 = arith.addf %add3A_369, %mul3A_377 : vector<16xf32>
      %mul3A_379 = arith.mulf %gather3A_374, %gather3A_376 : vector<16xf32>
      %add3A_380 = arith.addf %add3A_371, %mul3A_379 : vector<16xf32>
      %broadcast_in_dim3A_381 = arith.constant 14 : i32
      %broadcast_in_dim3A_382 = vector.broadcast %broadcast_in_dim3A_381 : i32 to vector<16xi32>
      %gather3A_383 = tpu.vector_load_idx %arg12[%add3A_252, %broadcast_in_dim3A_382] : memref<512x16xf32, #tpu.memory_space<vmem>>[vector<16xi32>, vector<16xi32>], vector<16xf32>,
      %gather3A_384 = tpu.vector_load_idx %arg13[%add3A_252, %broadcast_in_dim3A_382] : memref<512x16xf32, #tpu.memory_space<vmem>>[vector<16xi32>, vector<16xi32>], vector<16xf32>,
      %gather3A_385 = tpu.vector_load_idx %arg14[%add3A_252, %broadcast_in_dim3A_382] : memref<512x16xf32, #tpu.memory_space<vmem>>[vector<16xi32>, vector<16xi32>], vector<16xf32>,
      %mul3A_386 = arith.mulf %gather3A_383, %gather3A_384 : vector<16xf32>
      %add3A_387 = arith.addf %add3A_378, %mul3A_386 : vector<16xf32>
      %mul3A_388 = arith.mulf %gather3A_383, %gather3A_385 : vector<16xf32>
      %add3A_389 = arith.addf %add3A_380, %mul3A_388 : vector<16xf32>
      %broadcast_in_dim3A_390 = arith.constant 15 : i32
      %broadcast_in_dim3A_391 = vector.broadcast %broadcast_in_dim3A_390 : i32 to vector<16xi32>
      %gather3A_392 = tpu.vector_load_idx %arg12[%add3A_252, %broadcast_in_dim3A_391] : memref<512x16xf32, #tpu.memory_space<vmem>>[vector<16xi32>, vector<16xi32>], vector<16xf32>,
      %gather3A_393 = tpu.vector_load_idx %arg13[%add3A_252, %broadcast_in_dim3A_391] : memref<512x16xf32, #tpu.memory_space<vmem>>[vector<16xi32>, vector<16xi32>], vector<16xf32>,
      %gather3A_394 = tpu.vector_load_idx %arg14[%add3A_252, %broadcast_in_dim3A_391] : memref<512x16xf32, #tpu.memory_space<vmem>>[vector<16xi32>, vector<16xi32>], vector<16xf32>,
      %mul3A_395 = arith.mulf %gather3A_392, %gather3A_393 : vector<16xf32>
      %add3A_396 = arith.addf %add3A_387, %mul3A_395 : vector<16xf32>
      %mul3A_397 = arith.mulf %gather3A_392, %gather3A_394 : vector<16xf32>
      %add3A_398 = arith.addf %add3A_389, %mul3A_397 : vector<16xf32>
      %mul3A_399 = arith.constant 16 : i32
      %mul3A_400 = arith.muli %scan3A_248, %mul3A_399 : i32
      %swap3A = arith.index_cast %mul3A_400 : i32 to index
      %swap3A_401 = tpu.vector_load %arg15[%swap3A] {strides = array<i32>} : memref<512xf32, #tpu.memory_space<vmem>>, vector<16xf32>,
      tpu.vector_store %arg15[%swap3A], %add3A_396 {strides = array<i32>} : memref<512xf32, #tpu.memory_space<vmem>>, vector<16xf32>,
      %mul3A_402 = arith.constant 16 : i32
      %mul3A_403 = arith.muli %scan3A_248, %mul3A_402 : i32
      %swap3A_404 = arith.index_cast %mul3A_403 : i32 to index
      %swap3A_405 = tpu.vector_load %arg16[%swap3A_404] {strides = array<i32>} : memref<512xf32, #tpu.memory_space<vmem>>, vector<16xf32>,
      tpu.vector_store %arg16[%swap3A_404], %add3A_398 {strides = array<i32>} : memref<512xf32, #tpu.memory_space<vmem>>, vector<16xf32>,
    }
    %scan3A_247 = arith.constant 32 : i32
    "tpu.region"() ({
      %run_scoped3A = tpu.sem_alloc : memref<!tpu.dma_semaphore, #tpu.memory_space<semaphore_mem>>
      %dma_start3A_248 = tpu.memref_slice %arg7[%mul3A_4] : memref<16384xf32, #tpu.memory_space<hbm>> -> memref<512xf32, #tpu.memory_space<hbm>>
      %dma_start3A_249 = tpu.memref_slice %arg7[%mul3A_4] : memref<16384xf32, #tpu.memory_space<hbm>> -> memref<512xf32, #tpu.memory_space<hbm>>
      tpu.enqueue_dma source(%arg15 : memref<512xf32, #tpu.memory_space<vmem>>) target(%dma_start3A_249 : memref<512xf32, #tpu.memory_space<hbm>>) target_semaphore(%run_scoped3A : memref<!tpu.dma_semaphore, #tpu.memory_space<semaphore_mem>>)
      %dma_wait3A_250 = tpu.memref_slice %arg7[%mul3A_4] : memref<16384xf32, #tpu.memory_space<hbm>> -> memref<512xf32, #tpu.memory_space<hbm>>
      %dma_wait3A_251 = tpu.memref_slice %arg7[%mul3A_4] : memref<16384xf32, #tpu.memory_space<hbm>> -> memref<512xf32, #tpu.memory_space<hbm>>
      tpu.wait_dma2 semaphore(%run_scoped3A : memref<!tpu.dma_semaphore, #tpu.memory_space<semaphore_mem>>) src(%arg15 : memref<512xf32, #tpu.memory_space<vmem>>) dst(%dma_wait3A_251 : memref<512xf32, #tpu.memory_space<hbm>>)
      tpu.yield
    }) : () -> ()
    "tpu.region"() ({
      %run_scoped3A = tpu.sem_alloc : memref<!tpu.dma_semaphore, #tpu.memory_space<semaphore_mem>>
      %dma_start3A_248 = tpu.memref_slice %arg8[%mul3A_4] : memref<16384xf32, #tpu.memory_space<hbm>> -> memref<512xf32, #tpu.memory_space<hbm>>
      %dma_start3A_249 = tpu.memref_slice %arg8[%mul3A_4] : memref<16384xf32, #tpu.memory_space<hbm>> -> memref<512xf32, #tpu.memory_space<hbm>>
      tpu.enqueue_dma source(%arg16 : memref<512xf32, #tpu.memory_space<vmem>>) target(%dma_start3A_249 : memref<512xf32, #tpu.memory_space<hbm>>) target_semaphore(%run_scoped3A : memref<!tpu.dma_semaphore, #tpu.memory_space<semaphore_mem>>)
      %dma_wait3A_250 = tpu.memref_slice %arg8[%mul3A_4] : memref<16384xf32, #tpu.memory_space<hbm>> -> memref<512xf32, #tpu.memory_space<hbm>>
      %dma_wait3A_251 = tpu.memref_slice %arg8[%mul3A_4] : memref<16384xf32, #tpu.memory_space<hbm>> -> memref<512xf32, #tpu.memory_space<hbm>>
      tpu.wait_dma2 semaphore(%run_scoped3A : memref<!tpu.dma_semaphore, #tpu.memory_space<semaphore_mem>>) src(%arg16 : memref<512xf32, #tpu.memory_space<vmem>>) dst(%dma_wait3A_251 : memref<512xf32, #tpu.memory_space<hbm>>)
      tpu.yield
    }) : () -> ()
    return
  }
}

</mosaic_0001>

<sc_bundles>
// kernel: kernel.3.cloned.1.call-start
scs
__scs_entry_jumppad:
0x0: {  	(pc) =	sbr.rel $0x88, $3  }
0x1: {  	(tag) =	ssettag $0x0;
	lr =	simm.s32 $0x1  }
0x2: {  	[smem:$0x3F9C] =	sst lr;
	_ =	strace $0xD0000000  }
0x3: {  	_ = 	snop  }
0x4: {  	_ = 	snop  }
0x5: {  	_ = 	snop  }
0x6: {  	_ = 	snop  }
0x7: {  	_ = 	snop  }
__scs_overlays_trampoline_lowered:
0x8: {  	[smem:$0x3FAB] =	sst s0  }
0x9: {  	[smem:$0x3FAC] =	sst s1  }
0xa: {  	[smem:$0x3FAD] =	sst s2  }
0xb: {  	[smem:$0x3FAE] =	sst s3  }
0xc: {  	[smem:$0x3FAF] =	sst s4  }
0xd: {  	[smem:$0x3FB0] =	sst s5  }
0xe: {  	[smem:$0x3FB1] =	sst s6  }
0xf: {  	[smem:$0x3FB2] =	sst s7  }
0x10: {  	[smem:$0x3FB3] =	sst s8  }
0x11: {  	[smem:$0x3FB4] =	sst s9;
	s0 =	simm.s32 @!p0 $0x0  }
0x12: {  	s1 =	sld [smem:$0x3F9A];
	s0 =	simm.s32 @p0 $0x1  }
0x13: {  	[smem:$0x3FB5] =	sst s0;
	s0 =	simm.s32 @!p1 $0x0  }
0x14: {  	s2 =	sld [smem:$0x3F99];
	s0 =	simm.s32 @p1 $0x1  }
0x15: {  	[smem:$0x3FB6] =	sst s0;
	s0 =	simm.s32 @!p2 $0x0  }
0x16: {  	s3 =	sld [smem:$0x3FDB];
	s0 =	simm.s32 @p2 $0x1  }
0x17: {  	s4 =	simm.s32 $0x1BF5;
	[smem:$0x3FB8] =	sst s0  }
0x18: {  	s0 =	sld [smem:$0x3F9B];
	_ =	swait.ge [sflag:s4], $0x0  }
0x19: {  	s7 =	sld [smem:$0x3F9C]  }
0x1a: {  	s8 =	sadd.s32 $0xFFFFE003, lr  }
0x1b: {  	s9 =	sadd.s32 $0xFFFFFEF7, lr;
	s5 =	simm.s32 $0xFFFFFFFF;
	p2 =	slt.u32 s8, $0xFFFFF086  }
0x1c: {  	p1 =	slt.u32 s9, $0xF7A;
	s5 =	simm.s32 @!p2 $0x0  }
0x1d: {  	s5 =	simm.s32 @p1 $0x1;
	p0 =	seq.s32 s7, s2  }
0x1e: {  	s7 =	smul.u32 @!p0 $0xF7A, s2;
	p2 =	seq.s32 @!p0 s5, $0x0  }
0x1f: {  	s9 =	smul.u32 $0xF7A, s1;
	s8 =	simm.s32 @!p0 $0x1BF5;
	p2 =	por !p2, p0  }
0x20: {  	[sflag:s8] =	ssyncset.s32 @!p0 $0xFFFFF086;
	s6 =	sadd.s32 @!p0 s3, s7;
	s7 =	simm.s32 @!p0 $0x108  }
0x21: {  	s3 =	sadd.s32 s3, s9;
	s6 =	sadd.s32 @!p0 $0x88, s6;
	s7 =	simm.s32 @p2 $0x1082  }
0x22: {  	[simem:s7], [sflag:s8] =	dma.local @!p0 [hbm:s6], $0xF7A  }
0x23: {  	s9 =	sor.u32 $0xD0000000, s2;
	s6 =	simm.s32 $0x108;
	_ =	swait.ge @!p0 [sflag:s8], $0x0  }
0x24: {  	s3 =	sadd.s32 $0x88, s3;
	s6 =	simm.s32 @!p1 $0x1082;
	[sflag:s4] =	ssyncset.s32 $0xFFFFF086  }
0x25: {  	[simem:s6], [sflag:s4] =	dma.local [hbm:s3], $0xF7A  }
0x26: {  	[smem:$0x3F9C] =	sst s1;
	(tag) =	ssettag s2;
	_ =	strace s9  }
0x27: {  	s1 =	sld [smem:$0x3FAC]  }
0x28: {  	s2 =	sld [smem:$0x3FAD]  }
0x29: {  	s4 =	sld [smem:$0x3FAF]  }
0x2a: {  	p0 =	seq.s32 s5, $0x0;
	s5 =	sld [smem:$0x3FB0]  }
0x2b: {  	s6 =	sld [smem:$0x3FB1]  }
0x2c: {  	s7 =	sld [smem:$0x3FB2]  }
0x2d: {  	s3 =	simm.s32 $0x108;
	s8 =	sld [smem:$0x3FB3]  }
0x2e: {  	s3 =	simm.s32 @!p0 $0x1082;
	s9 =	sld [smem:$0x3FB4]  }
0x2f: {  	lr =	sadd.s32 s0, s3;
	s0 =	sld [smem:$0x3FAB]  }
0x30: {  	s3 =	sld [smem:$0x3FAE]  }
0x31: {  	[smem:$0x3FB7] =	sst s10  }
0x32: {  	s10 =	sld [smem:$0x3FB5];
	_ =	sdelay $0x3  }
0x33: {  	p0 =	seq.s32 s10, $0x1;
	s10 =	sld [smem:$0x3FB7];
	_ =	sdelay $0x3  }
0x34: {  	[smem:$0x3FB7] =	sst s10  }
0x35: {  	s10 =	sld [smem:$0x3FB6];
	_ =	sdelay $0x3  }
0x36: {  	p1 =	seq.s32 s10, $0x1;
	s10 =	sld [smem:$0x3FB7];
	_ =	sdelay $0x3  }
0x37: {  	[smem:$0x3FB7] =	sst s10  }
0x38: {  	s10 =	sld [smem:$0x3FB8]  }
0x39: {  	_ = 	snop;
	(pc) =	sbr.ind lr, $3  }
0x3a: {  	_ = 	snop  }
0x3b: {  	_ = 	snop  }
0x3c: {  	p2 =	seq.s32 s10, $0x1;
	s10 =	sld [smem:$0x3FB7]  }
0x3d: {  	_ =	shalt  }
0x3e: {  	_ =	shalt  }
0x3f: {  	_ =	shalt  }
0x40: {  	_ =	shalt  }
0x41: {  	_ =	shalt  }
0x42: {  	_ =	shalt  }
0x43: {  	_ =	shalt  }
0x44: {  	_ =	shalt  }
0x45: {  	_ =	shalt  }
0x46: {  	_ =	shalt  }
0x47: {  	_ =	shalt  }
0x48: {  	_ =	shalt  }
0x49: {  	_ =	shalt  }
0x4a: {  	_ =	shalt  }
0x4b: {  	_ =	shalt  }
0x4c: {  	_ =	shalt  }
0x4d: {  	_ =	shalt  }
0x4e: {  	_ =	shalt  }
0x4f: {  	_ =	shalt  }
0x50: {  	_ =	shalt  }
0x51: {  	_ =	shalt  }
0x52: {  	_ =	shalt  }
0x53: {  	_ =	shalt  }
0x54: {  	_ =	shalt  }
0x55: {  	_ =	shalt  }
0x56: {  	_ =	shalt  }
0x57: {  	_ =	shalt  }
0x58: {  	_ =	shalt  }
0x59: {  	_ =	shalt  }
0x5a: {  	_ =	shalt  }
0x5b: {  	_ =	shalt  }
0x5c: {  	_ =	shalt  }
0x5d: {  	_ =	shalt  }
0x5e: {  	_ =	shalt  }
0x5f: {  	_ =	shalt  }
0x60: {  	_ =	shalt  }
0x61: {  	_ =	shalt  }
0x62: {  	_ =	shalt  }
0x63: {  	_ =	shalt  }
0x64: {  	_ =	shalt  }
0x65: {  	_ =	shalt  }
0x66: {  	_ =	shalt  }
0x67: {  	_ =	shalt  }
0x68: {  	_ =	shalt  }
0x69: {  	_ =	shalt  }
0x6a: {  	_ =	shalt  }
0x6b: {  	_ =	shalt  }
0x6c: {  	_ =	shalt  }
0x6d: {  	_ =	shalt  }
0x6e: {  	_ =	shalt  }
0x6f: {  	_ =	shalt  }
0x70: {  	_ =	shalt  }
0x71: {  	_ =	shalt  }
0x72: {  	_ =	shalt  }
0x73: {  	_ =	shalt  }
0x74: {  	_ =	shalt  }
0x75: {  	_ =	shalt  }
0x76: {  	_ =	shalt  }
0x77: {  	_ =	shalt  }
0x78: {  	_ =	shalt  }
0x79: {  	_ =	shalt  }
0x7a: {  	_ =	shalt  }
0x7b: {  	_ =	shalt  }
0x7c: {  	_ =	shalt  }
0x7d: {  	_ =	shalt  }
0x7e: {  	_ =	shalt  }
0x7f: {  	_ =	shalt  }
0x80: {  	_ =	shalt  }
0x81: {  	_ =	shalt  }
0x82: {  	_ =	shalt  }
0x83: {  	_ =	shalt  }
0x84: {  	_ =	shalt  }
0x85: {  	_ =	shalt  }
0x86: {  	_ =	shalt  }
0x87: {  	_ =	shalt  }
.Lfunc_end0:
.L_simem_size_0:
called_computation_lowered:
.L_overlay_start_0:
0x88: {  	s2 =	sld [smem:$0x3FD9]  }
0x89: {  	s3 =	sld [smem:$0x3FFE];
	_ =	sdelay $0x1  }
0x8a: {  	s1 =	srdreg.scid  }
0x8b: {  	s0 =	sand.u32 $0x1, s1  }
0x8c: {  	s14 =	sshll.u32 s0, $0xA;
	s2 =	sadd.s32 s3, s2  }
0x8d: {  	s2 =	sadd.s32 s2, s14  }
0x8e: {  	[smem:$0x3FC3] =	sst s2  }
0x8f: {  	_ = 	snop  }
0x90: {  	s2 =	sld [smem:$0x3FD0]  }
0x91: {  	s15 =	sld [smem:$0x3FC9]  }
0x92: {  	s4 =	sld [smem:$0x3FC8]  }
0x93: {  	s6 =	simm.s32 $0xA;
	s7 =	simm.s32 $0x10;
	s5 =	sld [smem:$0x3FC7]  }
0x94: {  	[smem:s7], [sflag:s6] =	dma.local [hbm:s2], $0x1  }
0x95: {  	_ =	swait.eq [sflag:s6], $0x1  }
0x96: {  	[sflag:s6] =	ssyncset.done $0x0  }
0x97: {  	s16 =	sld [smem:$0x10];
	[sflag:s6] =	ssyncadd.s32 $0xFFFFFFFF  }
0x98: {  	s17 =	sld [smem:$0x11];
	(tm) =	ssettm $0x1  }
0x99: {  	s18 =	sld [smem:$0x3FFB];
	_ =	sdelay $0x3  }
0x9a: {  	_ =	strace s18  }
0x9b: {  	s7 =	sld [smem:$0x3FFC];
	_ =	sdelay $0x3  }
0x9c: {  	_ =	strace s7  }
0x9d: {  	s7 =	sld [smem:$0x3FFD];
	_ =	sdelay $0x3  }
0x9e: {  	_ =	strace s7  }
0x9f: {  	_ =	strace $0x8FFFFFFF  }
0xa0: {  	s19 =	sld [smem:$0x3FDB];
	_ =	sdelay $0x1  }
0xa1: {  	s8 =	simm.s32 $_scs_section_size  }
0xa2: {  	s9 =	simm.s32 $_size__tile_overlayer_lowered;
	s10 =	simm.s32 $_tile_overlayer_lowered  }
0xa3: {  	s22 =	simm.s32 $0x1BFF;
	s21 =	sshll.u32 s10, $0x1;
	s7 =	sadd.s32 s8, s19  }
0xa4: {  	s11 =	simm.s32 $0x0;
	s20 =	sshll.u32 s9, $0x1;
	s9 =	sadd.s32 s21, s7  }
0xa5: {  	[timem:s11], [sflag:s22] =	dma.local [hbm:s9], s20  }
0xa6: {  	_ =	swait.ge [sflag:s22], s20  }
0xa7: {  	s8 =	ssub.s32 $0x0, s20;
	[sflag:s22] =	ssyncset.done $0x0  }
0xa8: {  	[sflag:s22] =	ssyncadd.s32 s8;
	_ =	sdelay $0x1  }
0xa9: {  	s23 =	simm.s32 $0x1B8B  }
0xaa: {  	_ =	swait.ge [sflag:s23], $0x1  }
0xab: {  	[sflag:s23] =	ssyncset.done $0x0  }
0xac: {  	s25 =	simm.s32 $0x1B8E;
	s24 =	sld [smem:$0x3FFE];
	[sflag:s23] =	ssyncadd.s32 $0xFFFFFFFF  }
0xad: {  	s26 =	simm.s32 $execute0_lowered;
	[smem:$0x3FD2] =	sst s25  }
0xae: {  	s9 =	sshll.u32 s26, $0x1;
	_ =	strace $0x80000046;
	[dreg:$0x1] =	wrdreg $0xFFFFFFFF  }
0xaf: {  	s28 =	simm.s32 $_size_execute0_lowered;
	s7 =	sadd.s32 s7, s9;
	[dreg:$0x0] =	wrdreg $0x0  }
0xb0: {  	s9 =	sshll.u32 s28, $0x1;
	[dreg:$0x2] =	wrdreg s7  }
0xb1: {  	[dreg:$0x3] =	wrdreg s9  }
0xb2: {  	[dreg:$0x4] =	wrdreg $0xC0  }
0xb3: {  	_ =	task [dreg:s11], $0x5FFFF  }
0xb4: {  	[dreg:$0x1] =	wrdreg $0xFFFFFFFF  }
0xb5: {  	[dreg:$0x0] =	wrdreg $0x60  }
0xb6: {  	[dreg:$0x2] =	wrdreg s15  }
0xb7: {  	[dreg:$0x3] =	wrdreg s4  }
0xb8: {  	[dreg:$0x4] =	wrdreg s5  }
0xb9: {  	[dreg:$0x5] =	wrdreg s24  }
0xba: {  	[dreg:$0x6] =	wrdreg s16  }
0xbb: {  	[dreg:$0x7] =	wrdreg s17  }
0xbc: {  	[dreg:$0x8] =	wrdreg $0x9  }
0xbd: {  	_ =	task.clear_ibuf [dreg:s11], $0x9FFFF;
	_ =	strace $0x90000046  }
0xbe: {  	s29 =	simm.s32 $0x9;
	_ =	strace $0x80000048  }
0xbf: {  	_ =	swait.ge [sflag:s29], $0x1  }
0xc0: {  	[sflag:s29] =	ssyncadd.s32 $0xFFFFFFFF  }
0xc1: {  	_ =	strace $0x90000048  }
0xc2: {  	_ =	sfence  }
0xc3: {  	s30 =	sld [smem:$0x0];
	_ =	sdelay $0x2  }
0xc4: {  	s31 =	sshll.u32 s1, $0xD;
	s1 =	sshrl.u32 s1, $0x2  }
0xc5: {  	s3 =	sand.u32 $0x4000, s31;
	s1 =	sadd.s32 s1, s30  }
0xc6: {  	s0 =	sor.u32 s3, s0;
	s1 =	sshll.u32 s1, $0x11  }
0xc7: {  	s0 =	sor.u32 s1, s0  }
0xc8: {  	s0 =	sadd.s32 $0x8F2B, s0  }
0xc9: {  	[sflag:s0] =	ssyncadd.remote.s32 $0x1  }
0xca: {  	_ =	sfence.sel $0xFFFF  }
0xcb: {  	[dreg:$0x0] =	wrdreg $0xFFFFFFFF;
	(pc) =	sbr.abs _section_cstart, $3  }
0xcc: {  	[dreg:$0x1] =	wrdreg $0xFFFFFFFF  }
0xcd: {  	_ =	task.clear_ibuf [dreg:s11], $0x2FFFF;
	_ =	strace $0x9FFFFFFF  }
0xce: {  	(tm) =	ssettm $0x7FFFFFFF  }
0xcf: {  	_ =	shalt  }
tec
execute0_lowered:
.L_overlay_start_1:
0x0: {  	(tag) =	ssettag $0x1  }
0x1: {  	s0 =	rddreg [dreg:$0x0]  }
0x2: {  	s1 =	rddreg [dreg:$0x1]  }
0x3: {  	s7 =	rddreg [dreg:$0x2]  }
0x4: {  	s4 =	rddreg [dreg:$0x3]  }
0x5: {  	s8 =	rddreg [dreg:$0x4]  }
0x6: {  	s9 =	rddreg [dreg:$0x5]  }
0x7: {  	s2 =	simm.s32 $0x0;
	s3 =	srdreg.scid;
	s6 =	stileid.u32  }
0x8: {  	s12 =	simm.s32 $0x200;
	s13 =	simm.s32 $0x400;
	s14 =	simm.s32 $0x80  }
0x9: {  	s15 =	simm.s32 $0x600;
	s16 =	simm.s32 $0x2600;
	s17 =	simm.s32 $0x4600  }
0xa: {  	s28 =	simm.s32 $0x500;
	s29 =	simm.s32 $0x5600;
	s30 =	simm.s32 $0x180  }
0xb: {  	s31 =	simm.s32 $0x1E00;
	s18 =	simm.s32 $0x580;
	s19 =	simm.s32 $0x5E00  }
0xc: {  	s20 =	simm.s32 $0x1;
	s21 =	simm.s32 $0x6600;
	s22 =	simm.s32 $0x6800  }
0xd: {  	s23 =	simm.s32 $0x0;
	[smem:$0x7FF] =	sst s2;
	s3 =	sand.u32 $0x1, s3  }
0xe: {  	s6 =	sshll.u32 s6, $0x7;
	_ =	strace $0x80000047;
	s5 =	ssub.s32 $0x2, s3  }
0xf: {  	s10 =	sshll.u32 s3, $0x6;
	s3 =	sadd.s32 $0xF42C00, s4;
	s11 =	sshrl.u32 s5, $0x1  }
0x10: {  	s4 =	sadd.s32 $0x112B200, s4;
	s10 =	sor.u32 s10, s6;
	s11 =	ssub.s32 s5, s11  }
0x11: {  	s5 =	sadd.s32 s0, s10;
	s6 =	sadd.s32 s1, s10;
	s7 =	sadd.s32 s7, s10  }
0x12: {  	v0 =	vlaneseq.u32;
	s8 =	sadd.s32 s8, s10;
	s9 =	sadd.s32 s9, s10;
	s0 =	simm.s32 $0x380  }
0x13: {  	v0 =	vmul.u32 $0x10, v0;
	s1 =	simm.s32 $0x3E00;
	s10 =	smax.u32 s11, $0x1;
	s11 =	simm.s32 $0x2  }
.LBB2_1:
0x14: {  	[tilespmem:s2], [sflag:$0x2] =	stream.linear.gather [hbm4b:s5+s2], $0x200, $0x38;
	[tilespmem:$0x6A00] =	vst v63  }
0x15: {  	_ =	swait.ge [sflag:s11], $0x200  }
0x16: {  	[sflag:s11] =	ssyncset.done $0x0  }
0x17: {  	[sflag:s11] =	ssyncadd.s32 $0xFFFFFE00  }
0x18: {  	[tilespmem:s12], [sflag:$0x2] =	stream.linear.gather [hbm4b:s6+s2], $0x200, $0x38;
	[tilespmem:$0x6A00] =	vst v63  }
0x19: {  	_ =	swait.ge [sflag:s11], $0x200  }
0x1a: {  	[sflag:s11] =	ssyncset.done $0x0  }
0x1b: {  	[sflag:s11] =	ssyncadd.s32 $0xFFFFFE00  }
0x1c: {  	[tilespmem:s13], [sflag:$0x2] =	stream.linear.gather [hbm4b:s7+s2], $0x200, $0x38;
	[tilespmem:$0x6A00] =	vst v63  }
0x1d: {  	_ =	swait.ge [sflag:s11], $0x200  }
0x1e: {  	[sflag:s11] =	ssyncset.done $0x0  }
0x1f: {  	[sflag:s11] =	ssyncadd.s32 $0xFFFFFE00  }
0x20: {  	[tilespmem:s15], [sflag:$0x1] =	stream.indirect.gather [hbm4b:s3+s14], $0x10, s2, s14, $0xb8;
	[tilespmem:$0x6A00] =	vst v63  }
0x21: {  	_ = 	snop  }
0x22: {  	[tilespmem:s16], [sflag:$0x1] =	stream.indirect.gather [hbm4b:s4+s14], $0x10, s12, s14, $0xb8;
	[tilespmem:$0x6A00] =	vst v63  }
0x23: {  	_ = 	snop  }
0x24: {  	[tilespmem:s17], [sflag:$0x1] =	stream.indirect.gather [hbm4b:s4+s14], $0x10, s13, s14, $0xb8;
	[tilespmem:$0x6A00] =	vst v63  }
0x25: {  	s24 =	simm.s32 $0xE00  }
0x26: {  	[tilespmem:s24], [sflag:$0x1] =	stream.indirect.gather [hbm4b:s3+s14], $0x10, s14, s14, $0xb8;
	[tilespmem:$0x6A00] =	vst v63  }
0x27: {  	s26 =	simm.s32 $0x280;
	s25 =	simm.s32 $0x2E00  }
0x28: {  	[tilespmem:s25], [sflag:$0x1] =	stream.indirect.gather [hbm4b:s4+s14], $0x10, s26, s14, $0xb8;
	[tilespmem:$0x6A00] =	vst v63  }
0x29: {  	s25 =	simm.s32 $0x480;
	s26 =	simm.s32 $0x4E00  }
0x2a: {  	[tilespmem:s26], [sflag:$0x1] =	stream.indirect.gather [hbm4b:s4+s14], $0x10, s25, s14, $0xb8;
	[tilespmem:$0x6A00] =	vst v63  }
0x2b: {  	s25 =	simm.s32 $0x100;
	s26 =	simm.s32 $0x1600  }
0x2c: {  	[tilespmem:s26], [sflag:$0x1] =	stream.indirect.gather [hbm4b:s3+s14], $0x10, s25, s14, $0xb8;
	[tilespmem:$0x6A00] =	vst v63  }
0x2d: {  	s25 =	simm.s32 $0x300;
	s26 =	simm.s32 $0x3600  }
0x2e: {  	[tilespmem:s26], [sflag:$0x1] =	stream.indirect.gather [hbm4b:s4+s14], $0x10, s25, s14, $0xb8;
	[tilespmem:$0x6A00] =	vst v63  }
0x2f: {  	_ = 	snop  }
0x30: {  	[tilespmem:s29], [sflag:$0x1] =	stream.indirect.gather [hbm4b:s4+s14], $0x10, s28, s14, $0xb8;
	[tilespmem:$0x6A00] =	vst v63  }
0x31: {  	_ = 	snop  }
0x32: {  	[tilespmem:s31], [sflag:$0x1] =	stream.indirect.gather [hbm4b:s3+s14], $0x10, s30, s14, $0xb8;
	[tilespmem:$0x6A00] =	vst v63  }
0x33: {  	_ = 	snop  }
0x34: {  	[tilespmem:s1], [sflag:$0x1] =	stream.indirect.gather [hbm4b:s4+s14], $0x10, s0, s14, $0xb8;
	[tilespmem:$0x6A00] =	vst v63  }
0x35: {  	_ = 	snop  }
0x36: {  	[tilespmem:s19], [sflag:$0x1] =	stream.indirect.gather [hbm4b:s4+s14], $0x10, s18, s14, $0xb8;
	[tilespmem:$0x6A00] =	vst v63  }
0x37: {  	_ =	swait.ge [sflag:s20], $0x800  }
0x38: {  	[sflag:s20] =	ssyncset.done $0x0  }
0x39: {  	[sflag:s20] =	ssyncadd.s32 $0xFFFFF800  }
0x3a: {  	_ =	swait.ge [sflag:s20], $0x800  }
0x3b: {  	[sflag:s20] =	ssyncset.done $0x0  }
0x3c: {  	[sflag:s20] =	ssyncadd.s32 $0xFFFFF800  }
0x3d: {  	_ =	swait.ge [sflag:s20], $0x800  }
0x3e: {  	[sflag:s20] =	ssyncset.done $0x0  }
0x3f: {  	[sflag:s20] =	ssyncadd.s32 $0xFFFFF800  }
0x40: {  	_ =	swait.ge [sflag:s20], $0x800  }
0x41: {  	[sflag:s20] =	ssyncset.done $0x0  }
0x42: {  	[sflag:s20] =	ssyncadd.s32 $0xFFFFF800  }
0x43: {  	_ =	swait.ge [sflag:s20], $0x800  }
0x44: {  	[sflag:s20] =	ssyncset.done $0x0  }
0x45: {  	[sflag:s20] =	ssyncadd.s32 $0xFFFFF800  }
0x46: {  	_ =	swait.ge [sflag:s20], $0x800  }
0x47: {  	[sflag:s20] =	ssyncset.done $0x0  }
0x48: {  	[sflag:s20] =	ssyncadd.s32 $0xFFFFF800  }
0x49: {  	_ =	swait.ge [sflag:s20], $0x800  }
0x4a: {  	[sflag:s20] =	ssyncset.done $0x0  }
0x4b: {  	[sflag:s20] =	ssyncadd.s32 $0xFFFFF800  }
0x4c: {  	_ =	swait.ge [sflag:s20], $0x800  }
0x4d: {  	[sflag:s20] =	ssyncset.done $0x0  }
0x4e: {  	[sflag:s20] =	ssyncadd.s32 $0xFFFFF800  }
0x4f: {  	_ =	swait.ge [sflag:s20], $0x800  }
0x50: {  	[sflag:s20] =	ssyncset.done $0x0  }
0x51: {  	[sflag:s20] =	ssyncadd.s32 $0xFFFFF800  }
0x52: {  	_ =	swait.ge [sflag:s20], $0x800  }
0x53: {  	v1 =	vmov s2;
	[sflag:s20] =	ssyncset.done $0x0  }
0x54: {  	v1 =	vshll.u32 v1, $0x4;
	[sflag:s20] =	ssyncadd.s32 $0xFFFFF800  }
0x55: {  	v1 =	vor.u32 v0, v1;
	_ =	swait.ge [sflag:s20], $0x800  }
0x56: {  	v2 =	vor.u32 $0xF, v1;
	[sflag:s20] =	ssyncset.done $0x0  }
0x57: {  	v3 =	vor.u32 $0xE, v1;
	[sflag:s20] =	ssyncadd.s32 $0xFFFFF800  }
0x58: {  	v4 =	vor.u32 $0xD, v1;
	_ =	swait.ge [sflag:s20], $0x800  }
0x59: {  	v5 =	vor.u32 $0xC, v1;
	[sflag:s20] =	ssyncset.done $0x0  }
0x5a: {  	v6 =	vor.u32 $0xB, v1;
	[sflag:s20] =	ssyncadd.s32 $0xFFFFF800  }
0x5b: {  	v7 =	vor.u32 $0xA, v1;
	v8 =	vld.idx.msk [tilespmem:v2+s16+$0x0], $0xffff  }
0x5c: {  	v9 =	vor.u32 $0x9, v1;
	v10 =	vld.idx.msk [tilespmem:v3+s16+$0x0], $0xffff  }
0x5d: {  	v11 =	vor.u32 $0x8, v1;
	v12 =	vld.idx.msk [tilespmem:v4+s16+$0x0], $0xffff  }
0x5e: {  	v13 =	vor.u32 $0x7, v1;
	v14 =	vld.idx.msk [tilespmem:v5+s16+$0x0], $0xffff  }
0x5f: {  	v15 =	vor.u32 $0x6, v1;
	v16 =	vld.idx.msk [tilespmem:v6+s16+$0x0], $0xffff  }
0x60: {  	v17 =	vor.u32 $0x5, v1;
	v18 =	vld.idx.msk [tilespmem:v7+s16+$0x0], $0xffff  }
0x61: {  	v19 =	vor.u32 $0x4, v1;
	v20 =	vld.idx.msk [tilespmem:v9+s16+$0x0], $0xffff  }
0x62: {  	v21 =	vor.u32 $0x3, v1;
	v22 =	vld.idx.msk [tilespmem:v11+s16+$0x0], $0xffff  }
0x63: {  	v23 =	vor.u32 $0x2, v1;
	v24 =	vld.idx.msk [tilespmem:v13+s16+$0x0], $0xffff  }
0x64: {  	v25 =	vor.u32 $0x1, v1;
	v26 =	vld.idx.msk [tilespmem:v15+s16+$0x0], $0xffff  }
0x65: {  	v27 =	vld.idx.msk [tilespmem:v17+s16+$0x0], $0xffff  }
0x66: {  	v28 =	vld.idx.msk [tilespmem:v19+s16+$0x0], $0xffff  }
0x67: {  	v29 =	vld.idx.msk [tilespmem:v21+s16+$0x0], $0xffff  }
0x68: {  	v30 =	vld.idx.msk [tilespmem:v23+s16+$0x0], $0xffff  }
0x69: {  	v31 =	vld.idx.msk [tilespmem:v25+s16+$0x0], $0xffff  }
0x6a: {  	v32 =	vld.idx.msk [tilespmem:v1+s16+$0x0], $0xffff  }
0x6b: {  	v33 =	vld.idx.msk [tilespmem:v1+s15+$0x0], $0xffff  }
0x6c: {  	v1 =	vld.idx.msk [tilespmem:v1+s17+$0x0], $0xffff  }
0x6d: {  	v34 =	vld.idx.msk [tilespmem:v25+s15+$0x0], $0xffff  }
0x6e: {  	v25 =	vld.idx.msk [tilespmem:v25+s17+$0x0], $0xffff  }
0x6f: {  	v35 =	vld.idx.msk [tilespmem:v23+s15+$0x0], $0xffff  }
0x70: {  	v23 =	vld.idx.msk [tilespmem:v23+s17+$0x0], $0xffff;
	v32 =	vmul.f32 v32, v33  }
0x71: {  	v36 =	vld.idx.msk [tilespmem:v21+s15+$0x0], $0xffff;
	v1 =	vmul.f32 v1, v33  }
0x72: {  	v21 =	vld.idx.msk [tilespmem:v21+s17+$0x0], $0xffff;
	v31 =	vmul.f32 v31, v34;
	v32 =	vadd.f32 $0.0e+00, v32  }
0x73: {  	v61 =	vld.idx.msk [tilespmem:v19+s15+$0x0], $0xffff;
	v25 =	vmul.f32 v25, v34;
	v1 =	vadd.f32 $0.0e+00, v1  }
0x74: {  	v19 =	vld.idx.msk [tilespmem:v19+s17+$0x0], $0xffff;
	v30 =	vmul.f32 v30, v35;
	v31 =	vadd.f32 v31, v32  }
0x75: {  	v62 =	vld.idx.msk [tilespmem:v17+s15+$0x0], $0xffff;
	v23 =	vmul.f32 v23, v35;
	v1 =	vadd.f32 v25, v1  }
0x76: {  	v17 =	vld.idx.msk [tilespmem:v17+s17+$0x0], $0xffff;
	v29 =	vmul.f32 v29, v36;
	v25 =	vadd.f32 v30, v31  }
0x77: {  	v63 =	vld.idx.msk [tilespmem:v15+s15+$0x0], $0xffff;
	v21 =	vmul.f32 v21, v36;
	v1 =	vadd.f32 v23, v1  }
0x78: {  	v15 =	vld.idx.msk [tilespmem:v15+s17+$0x0], $0xffff;
	v23 =	vadd.f32 v29, v25;
	v25 =	vmul.f32 v28, v61  }
0x79: {  	v19 =	vmul.f32 v19, v61;
	v28 =	vld.idx.msk [tilespmem:v13+s15+$0x0], $0xffff;
	v1 =	vadd.f32 v21, v1  }
0x7a: {  	v13 =	vld.idx.msk [tilespmem:v13+s17+$0x0], $0xffff;
	v21 =	vadd.f32 v25, v23;
	v23 =	vmul.f32 v27, v62  }
0x7b: {  	v17 =	vmul.f32 v17, v62;
	v25 =	vld.idx.msk [tilespmem:v11+s15+$0x0], $0xffff;
	v1 =	vadd.f32 v19, v1  }
0x7c: {  	v11 =	vld.idx.msk [tilespmem:v11+s17+$0x0], $0xffff;
	v19 =	vadd.f32 v23, v21;
	v21 =	vmul.f32 v26, v63  }
0x7d: {  	v15 =	vmul.f32 v15, v63;
	v23 =	vld.idx.msk [tilespmem:v9+s15+$0x0], $0xffff;
	v1 =	vadd.f32 v17, v1  }
0x7e: {  	v9 =	vld.idx.msk [tilespmem:v9+s17+$0x0], $0xffff;
	v17 =	vadd.f32 v21, v19;
	v19 =	vmul.f32 v24, v28  }
0x7f: {  	v13 =	vmul.f32 v13, v28;
	v21 =	vld.idx.msk [tilespmem:v7+s15+$0x0], $0xffff;
	v1 =	vadd.f32 v15, v1  }
0x80: {  	v7 =	vld.idx.msk [tilespmem:v7+s17+$0x0], $0xffff;
	v15 =	vadd.f32 v19, v17;
	v17 =	vmul.f32 v22, v25  }
0x81: {  	v11 =	vmul.f32 v11, v25;
	v19 =	vld.idx.msk [tilespmem:v6+s15+$0x0], $0xffff;
	v1 =	vadd.f32 v13, v1  }
0x82: {  	v6 =	vld.idx.msk [tilespmem:v6+s17+$0x0], $0xffff;
	v13 =	vadd.f32 v17, v15;
	v15 =	vmul.f32 v20, v23  }
0x83: {  	v9 =	vmul.f32 v9, v23;
	v17 =	vld.idx.msk [tilespmem:v5+s15+$0x0], $0xffff;
	v1 =	vadd.f32 v11, v1  }
0x84: {  	v5 =	vld.idx.msk [tilespmem:v5+s17+$0x0], $0xffff;
	v11 =	vadd.f32 v15, v13;
	v13 =	vmul.f32 v18, v21  }
0x85: {  	v7 =	vmul.f32 v7, v21;
	v15 =	vld.idx.msk [tilespmem:v4+s15+$0x0], $0xffff;
	v1 =	vadd.f32 v9, v1  }
0x86: {  	v4 =	vld.idx.msk [tilespmem:v4+s17+$0x0], $0xffff;
	v9 =	vadd.f32 v13, v11;
	v11 =	vmul.f32 v16, v19  }
0x87: {  	v6 =	vmul.f32 v6, v19;
	v13 =	vld.idx.msk [tilespmem:v3+s15+$0x0], $0xffff;
	v1 =	vadd.f32 v7, v1  }
0x88: {  	v3 =	vld.idx.msk [tilespmem:v3+s17+$0x0], $0xffff;
	v7 =	vadd.f32 v11, v9;
	v9 =	vmul.f32 v14, v17  }
0x89: {  	v5 =	vmul.f32 v5, v17;
	v11 =	vld.idx.msk [tilespmem:v2+s15+$0x0], $0xffff;
	v1 =	vadd.f32 v6, v1  }
0x8a: {  	v2 =	vld.idx.msk [tilespmem:v2+s17+$0x0], $0xffff;
	v6 =	vadd.f32 v9, v7;
	v7 =	vmul.f32 v12, v15  }
0x8b: {  	s26 =	simm.s32 $0x10;
	v4 =	vmul.f32 v4, v15;
	v1 =	vadd.f32 v5, v1  }
0x8c: {  	v5 =	vmov s26;
	v6 =	vadd.f32 v7, v6;
	v7 =	vmul.f32 v10, v13  }
0x8d: {  	v5 =	vshll.u32 v5, $0x4;
	v3 =	vmul.f32 v3, v13;
	v4 =	vadd.f32 v4, v1  }
0x8e: {  	v21 =	vor.u32 v0, v5;
	v5 =	vadd.f32 v7, v6;
	v6 =	vmul.f32 v8, v11  }
0x8f: {  	v1 =	vor.u32 $0xF, v21;
	v2 =	vmul.f32 v2, v11;
	v3 =	vadd.f32 v3, v4  }
0x90: {  	v4 =	vor.u32 $0xE, v21;
	v5 =	vadd.f32 v6, v5  }
0x91: {  	v8 =	vor.u32 $0xC, v21;
	v2 =	vadd.f32 v2, v3  }
0x92: {  	v10 =	vor.u32 $0xB, v21;
	[tilespmem:s21+$0x0] =	vst v5  }
0x93: {  	v12 =	vor.u32 $0xA, v21;
	[tilespmem:s22+$0x0] =	vst v2  }
0x94: {  	v14 =	vor.u32 $0x9, v21;
	v2 =	vld.idx.msk [tilespmem:v1+s16+$0x0], $0xffff  }
0x95: {  	v16 =	vor.u32 $0x8, v21;
	v3 =	vld.idx.msk [tilespmem:v4+s16+$0x0], $0xffff  }
0x96: {  	v18 =	vor.u32 $0x7, v21;
	v7 =	vld.idx.msk [tilespmem:v8+s16+$0x0], $0xffff  }
0x97: {  	v20 =	vor.u32 $0x6, v21;
	v9 =	vld.idx.msk [tilespmem:v10+s16+$0x0], $0xffff  }
0x98: {  	v23 =	vor.u32 $0x5, v21;
	v11 =	vld.idx.msk [tilespmem:v12+s16+$0x0], $0xffff  }
0x99: {  	v6 =	vor.u32 $0xD, v21;
	v13 =	vld.idx.msk [tilespmem:v14+s16+$0x0], $0xffff  }
0x9a: {  	v24 =	vor.u32 $0x4, v21;
	v15 =	vld.idx.msk [tilespmem:v16+s16+$0x0], $0xffff  }
0x9b: {  	v25 =	vor.u32 $0x3, v21;
	v17 =	vld.idx.msk [tilespmem:v18+s16+$0x0], $0xffff  }
0x9c: {  	v26 =	vor.u32 $0x2, v21;
	v19 =	vld.idx.msk [tilespmem:v20+s16+$0x0], $0xffff  }
0x9d: {  	v27 =	vor.u32 $0x1, v21;
	v22 =	vld.idx.msk [tilespmem:v23+s16+$0x0], $0xffff  }
0x9e: {  	s24 =	simm.s32 $0x6800;
	s25 =	simm.s32 $0x6600;
	s26 =	simm.s32 $0x20;
	v5 =	vld.idx.msk [tilespmem:v6+s16+$0x0], $0xffff  }
.LBB2_2:
0x9f: {  	p0 =	sne.s32 s26, $0x1F0;
	v28 =	vld.idx.msk [tilespmem:v24+s16+$0x0], $0xffff  }
0xa0: {  	v29 =	vld.idx.msk [tilespmem:v25+s16+$0x0], $0xffff  }
0xa1: {  	v30 =	vld.idx.msk [tilespmem:v26+s16+$0x0], $0xffff  }
0xa2: {  	v31 =	vld.idx.msk [tilespmem:v27+s16+$0x0], $0xffff  }
0xa3: {  	v32 =	vld.idx.msk [tilespmem:v21+s16+$0x0], $0xffff  }
0xa4: {  	v33 =	vld.idx.msk [tilespmem:v21+s15+$0x0], $0xffff  }
0xa5: {  	v21 =	vld.idx.msk [tilespmem:v21+s17+$0x0], $0xffff  }
0xa6: {  	v34 =	vld.idx.msk [tilespmem:v27+s15+$0x0], $0xffff  }
0xa7: {  	v27 =	vld.idx.msk [tilespmem:v27+s17+$0x0], $0xffff  }
0xa8: {  	v35 =	vld.idx.msk [tilespmem:v26+s15+$0x0], $0xffff  }
0xa9: {  	v26 =	vld.idx.msk [tilespmem:v26+s17+$0x0], $0xffff  }
0xaa: {  	v32 =	vmul.f32 v32, v33;
	v36 =	vld.idx.msk [tilespmem:v25+s15+$0x0], $0xffff  }
0xab: {  	v21 =	vmul.f32 v21, v33;
	v25 =	vld.idx.msk [tilespmem:v25+s17+$0x0], $0xffff  }
0xac: {  	v32 =	vadd.f32 $0.0e+00, v32;
	v31 =	vmul.f32 v31, v34;
	v33 =	vld.idx.msk [tilespmem:v24+s15+$0x0], $0xffff  }
0xad: {  	v21 =	vadd.f32 $0.0e+00, v21;
	v27 =	vmul.f32 v27, v34;
	v24 =	vld.idx.msk [tilespmem:v24+s17+$0x0], $0xffff  }
0xae: {  	v31 =	vadd.f32 v31, v32;
	v30 =	vmul.f32 v30, v35;
	v32 =	vld.idx.msk [tilespmem:v23+s15+$0x0], $0xffff  }
0xaf: {  	v21 =	vadd.f32 v27, v21;
	v26 =	vmul.f32 v26, v35;
	v23 =	vld.idx.msk [tilespmem:v23+s17+$0x0], $0xffff  }
0xb0: {  	v27 =	vadd.f32 v30, v31;
	v29 =	vmul.f32 v29, v36;
	v30 =	vld.idx.msk [tilespmem:v20+s15+$0x0], $0xffff  }
0xb1: {  	v21 =	vadd.f32 v26, v21;
	v25 =	vmul.f32 v25, v36;
	v20 =	vld.idx.msk [tilespmem:v20+s17+$0x0], $0xffff  }
0xb2: {  	v26 =	vadd.f32 v29, v27;
	v27 =	vmul.f32 v28, v33;
	v28 =	vld.idx.msk [tilespmem:v18+s15+$0x0], $0xffff  }
0xb3: {  	v21 =	vadd.f32 v25, v21;
	v24 =	vmul.f32 v24, v33;
	v18 =	vld.idx.msk [tilespmem:v18+s17+$0x0], $0xffff  }
0xb4: {  	v25 =	vadd.f32 v27, v26;
	v22 =	vmul.f32 v22, v32;
	v26 =	vld.idx.msk [tilespmem:v16+s15+$0x0], $0xffff  }
0xb5: {  	v21 =	vadd.f32 v24, v21;
	v23 =	vmul.f32 v23, v32;
	v16 =	vld.idx.msk [tilespmem:v16+s17+$0x0], $0xffff  }
0xb6: {  	v22 =	vadd.f32 v22, v25;
	v19 =	vmul.f32 v19, v30;
	v24 =	vld.idx.msk [tilespmem:v14+s15+$0x0], $0xffff  }
0xb7: {  	v21 =	vadd.f32 v23, v21;
	v20 =	vmul.f32 v20, v30;
	v14 =	vld.idx.msk [tilespmem:v14+s17+$0x0], $0xffff  }
0xb8: {  	v19 =	vadd.f32 v19, v22;
	v17 =	vmul.f32 v17, v28;
	v22 =	vld.idx.msk [tilespmem:v12+s15+$0x0], $0xffff  }
0xb9: {  	v20 =	vadd.f32 v20, v21;
	v18 =	vmul.f32 v18, v28;
	v12 =	vld.idx.msk [tilespmem:v12+s17+$0x0], $0xffff  }
0xba: {  	v17 =	vadd.f32 v17, v19;
	v15 =	vmul.f32 v15, v26;
	v19 =	vld.idx.msk [tilespmem:v10+s15+$0x0], $0xffff  }
0xbb: {  	v18 =	vadd.f32 v18, v20;
	v16 =	vmul.f32 v16, v26;
	v10 =	vld.idx.msk [tilespmem:v10+s17+$0x0], $0xffff  }
0xbc: {  	v15 =	vadd.f32 v15, v17;
	v13 =	vmul.f32 v13, v24;
	v17 =	vld.idx.msk [tilespmem:v8+s15+$0x0], $0xffff  }
0xbd: {  	v16 =	vadd.f32 v16, v18;
	v14 =	vmul.f32 v14, v24;
	v8 =	vld.idx.msk [tilespmem:v8+s17+$0x0], $0xffff  }
0xbe: {  	v13 =	vadd.f32 v13, v15;
	v11 =	vmul.f32 v11, v22;
	v15 =	vld.idx.msk [tilespmem:v6+s15+$0x0], $0xffff  }
0xbf: {  	v14 =	vadd.f32 v14, v16;
	v12 =	vmul.f32 v12, v22;
	v6 =	vld.idx.msk [tilespmem:v6+s17+$0x0], $0xffff  }
0xc0: {  	v11 =	vadd.f32 v11, v13;
	v9 =	vmul.f32 v9, v19;
	v13 =	vld.idx.msk [tilespmem:v4+s15+$0x0], $0xffff  }
0xc1: {  	v12 =	vadd.f32 v12, v14;
	v10 =	vmul.f32 v10, v19;
	v4 =	vld.idx.msk [tilespmem:v4+s17+$0x0], $0xffff  }
0xc2: {  	v9 =	vadd.f32 v9, v11;
	v7 =	vmul.f32 v7, v17;
	v11 =	vld.idx.msk [tilespmem:v1+s15+$0x0], $0xffff  }
0xc3: {  	v10 =	vadd.f32 v10, v12;
	v8 =	vmul.f32 v8, v17;
	v12 =	vld.idx.msk [tilespmem:v1+s17+$0x0], $0xffff  }
0xc4: {  	v1 =	vadd.f32 v7, v9;
	v5 =	vmul.f32 v5, v15  }
0xc5: {  	v7 =	vadd.f32 v8, v10;
	v6 =	vmul.f32 v6, v15  }
0xc6: {  	v8 =	vmov s26;
	v1 =	vadd.f32 v5, v1;
	v3 =	vmul.f32 v3, v13  }
0xc7: {  	v5 =	vshll.u32 v8, $0x4;
	v6 =	vadd.f32 v6, v7;
	v4 =	vmul.f32 v4, v13  }
0xc8: {  	v21 =	vor.u32 v0, v5;
	v3 =	vadd.f32 v3, v1;
	v2 =	vmul.f32 v2, v11  }
0xc9: {  	v1 =	vor.u32 $0xF, v21;
	v5 =	vadd.f32 v4, v6;
	v7 =	vmul.f32 v12, v11  }
0xca: {  	v4 =	vor.u32 $0xE, v21;
	v2 =	vadd.f32 v2, v3  }
0xcb: {  	s25 =	sadd.s32 $0x10, s25;
	v6 =	vor.u32 $0xD, v21;
	v3 =	vadd.f32 v7, v5  }
0xcc: {  	s24 =	sadd.s32 $0x10, s24;
	v8 =	vor.u32 $0xC, v21;
	[tilespmem:s25+$0x0] =	vst v2  }
0xcd: {  	v10 =	vor.u32 $0xB, v21;
	[tilespmem:s24+$0x0] =	vst v3  }
0xce: {  	v12 =	vor.u32 $0xA, v21;
	v2 =	vld.idx.msk [tilespmem:v1+s16+$0x0], $0xffff  }
0xcf: {  	v14 =	vor.u32 $0x9, v21;
	v3 =	vld.idx.msk [tilespmem:v4+s16+$0x0], $0xffff  }
0xd0: {  	v16 =	vor.u32 $0x8, v21;
	v5 =	vld.idx.msk [tilespmem:v6+s16+$0x0], $0xffff  }
0xd1: {  	v18 =	vor.u32 $0x7, v21;
	v7 =	vld.idx.msk [tilespmem:v8+s16+$0x0], $0xffff  }
0xd2: {  	v20 =	vor.u32 $0x6, v21;
	v9 =	vld.idx.msk [tilespmem:v10+s16+$0x0], $0xffff  }
0xd3: {  	v23 =	vor.u32 $0x5, v21;
	v11 =	vld.idx.msk [tilespmem:v12+s16+$0x0], $0xffff  }
.Ltmp0:
0xd4: {  	v24 =	vor.u32 $0x4, v21;
	v13 =	vld.idx.msk [tilespmem:v14+s16+$0x0], $0xffff;
	(pc) =	sbr.rel @p0 .LBB2_2-.Ltmp0, $4  }
0xd5: {  	v25 =	vor.u32 $0x3, v21;
	v15 =	vld.idx.msk [tilespmem:v16+s16+$0x0], $0xffff  }
0xd6: {  	v26 =	vor.u32 $0x2, v21;
	v17 =	vld.idx.msk [tilespmem:v18+s16+$0x0], $0xffff  }
0xd7: {  	v27 =	vor.u32 $0x1, v21;
	v19 =	vld.idx.msk [tilespmem:v20+s16+$0x0], $0xffff  }
0xd8: {  	s26 =	sadd.s32 $0x10, s26;
	v22 =	vld.idx.msk [tilespmem:v23+s16+$0x0], $0xffff  }
0xd9: {  	_ =	sdelay $0x3  }
0xda: {  	v28 =	vld.idx.msk [tilespmem:v24+s16+$0x0], $0xffff  }
0xdb: {  	v29 =	vld.idx.msk [tilespmem:v25+s16+$0x0], $0xffff  }
0xdc: {  	v30 =	vld.idx.msk [tilespmem:v26+s16+$0x0], $0xffff  }
0xdd: {  	v31 =	vld.idx.msk [tilespmem:v27+s16+$0x0], $0xffff  }
0xde: {  	v32 =	vld.idx.msk [tilespmem:v21+s16+$0x0], $0xffff  }
0xdf: {  	v33 =	vld.idx.msk [tilespmem:v21+s15+$0x0], $0xffff  }
0xe0: {  	v60 =	vld.idx.msk [tilespmem:v21+s17+$0x0], $0xffff  }
0xe1: {  	v34 =	vld.idx.msk [tilespmem:v27+s15+$0x0], $0xffff  }
0xe2: {  	v61 =	vld.idx.msk [tilespmem:v27+s17+$0x0], $0xffff  }
0xe3: {  	v35 =	vld.idx.msk [tilespmem:v26+s15+$0x0], $0xffff  }
0xe4: {  	v62 =	vld.idx.msk [tilespmem:v26+s17+$0x0], $0xffff;
	v32 =	vmul.f32 v32, v33  }
0xe5: {  	v36 =	vld.idx.msk [tilespmem:v25+s15+$0x0], $0xffff;
	v21 =	vmul.f32 v60, v33  }
0xe6: {  	v63 =	vld.idx.msk [tilespmem:v25+s17+$0x0], $0xffff;
	v31 =	vmul.f32 v31, v34;
	v32 =	vadd.f32 $0.0e+00, v32  }
0xe7: {  	v37 =	vld.idx.msk [tilespmem:v24+s15+$0x0], $0xffff;
	v27 =	vmul.f32 v61, v34;
	v21 =	vadd.f32 $0.0e+00, v21  }
0xe8: {  	v38 =	vld.idx.msk [tilespmem:v24+s17+$0x0], $0xffff;
	v30 =	vmul.f32 v30, v35;
	v31 =	vadd.f32 v31, v32  }
0xe9: {  	v39 =	vld.idx.msk [tilespmem:v23+s15+$0x0], $0xffff;
	v26 =	vmul.f32 v62, v35;
	v21 =	vadd.f32 v27, v21  }
0xea: {  	v40 =	vld.idx.msk [tilespmem:v23+s17+$0x0], $0xffff;
	v29 =	vmul.f32 v29, v36;
	v41 =	vadd.f32 v30, v31  }
0xeb: {  	v42 =	vld.idx.msk [tilespmem:v20+s15+$0x0], $0xffff;
	v25 =	vmul.f32 v63, v36;
	v21 =	vadd.f32 v26, v21  }
0xec: {  	v43 =	vld.idx.msk [tilespmem:v20+s17+$0x0], $0xffff;
	v45 =	vmul.f32 v28, v37;
	v44 =	vadd.f32 v29, v41  }
0xed: {  	v46 =	vld.idx.msk [tilespmem:v18+s15+$0x0], $0xffff;
	v24 =	vmul.f32 v38, v37;
	v21 =	vadd.f32 v25, v21  }
0xee: {  	v47 =	vld.idx.msk [tilespmem:v18+s17+$0x0], $0xffff;
	v22 =	vmul.f32 v22, v39;
	v48 =	vadd.f32 v45, v44  }
0xef: {  	v49 =	vld.idx.msk [tilespmem:v16+s15+$0x0], $0xffff;
	v23 =	vmul.f32 v40, v39;
	v21 =	vadd.f32 v24, v21  }
0xf0: {  	v50 =	vld.idx.msk [tilespmem:v16+s17+$0x0], $0xffff;
	v19 =	vmul.f32 v19, v42;
	v22 =	vadd.f32 v22, v48  }
0xf1: {  	v51 =	vld.idx.msk [tilespmem:v14+s15+$0x0], $0xffff;
	v20 =	vmul.f32 v43, v42;
	v21 =	vadd.f32 v23, v21  }
0xf2: {  	v52 =	vld.idx.msk [tilespmem:v14+s17+$0x0], $0xffff;
	v17 =	vmul.f32 v17, v46;
	v19 =	vadd.f32 v19, v22  }
0xf3: {  	v53 =	vld.idx.msk [tilespmem:v12+s15+$0x0], $0xffff;
	v18 =	vmul.f32 v47, v46;
	v20 =	vadd.f32 v20, v21  }
0xf4: {  	v54 =	vld.idx.msk [tilespmem:v12+s17+$0x0], $0xffff;
	v15 =	vmul.f32 v15, v49;
	v17 =	vadd.f32 v17, v19  }
0xf5: {  	v55 =	vld.idx.msk [tilespmem:v10+s15+$0x0], $0xffff;
	v16 =	vmul.f32 v50, v49;
	v18 =	vadd.f32 v18, v20  }
0xf6: {  	v56 =	vld.idx.msk [tilespmem:v10+s17+$0x0], $0xffff;
	v13 =	vmul.f32 v13, v51;
	v15 =	vadd.f32 v15, v17  }
0xf7: {  	v57 =	vld.idx.msk [tilespmem:v8+s15+$0x0], $0xffff;
	v14 =	vmul.f32 v52, v51;
	v16 =	vadd.f32 v16, v18  }
0xf8: {  	v58 =	vld.idx.msk [tilespmem:v8+s17+$0x0], $0xffff;
	v11 =	vmul.f32 v11, v53;
	v13 =	vadd.f32 v13, v15  }
0xf9: {  	v59 =	vld.idx.msk [tilespmem:v6+s15+$0x0], $0xffff;
	v12 =	vmul.f32 v54, v53;
	v14 =	vadd.f32 v14, v16  }
0xfa: {  	v60 =	vld.idx.msk [tilespmem:v6+s17+$0x0], $0xffff;
	v9 =	vmul.f32 v9, v55;
	v11 =	vadd.f32 v11, v13  }
0xfb: {  	v61 =	vld.idx.msk [tilespmem:v4+s15+$0x0], $0xffff;
	v10 =	vmul.f32 v56, v55;
	v12 =	vadd.f32 v12, v14  }
0xfc: {  	v62 =	vld.idx.msk [tilespmem:v4+s17+$0x0], $0xffff;
	v7 =	vmul.f32 v7, v57;
	v9 =	vadd.f32 v9, v11  }
0xfd: {  	v63 =	vld.idx.msk [tilespmem:v1+s15+$0x0], $0xffff;
	v8 =	vmul.f32 v58, v57;
	v10 =	vadd.f32 v10, v12  }
0xfe: {  	v1 =	vld.idx.msk [tilespmem:v1+s17+$0x0], $0xffff;
	v5 =	vmul.f32 v5, v59;
	v7 =	vadd.f32 v7, v9  }
0xff: {  	v6 =	vmul.f32 v60, v59;
	v8 =	vadd.f32 v8, v10  }
0x100: {  	v3 =	vmul.f32 v3, v61;
	v5 =	vadd.f32 v5, v7  }
0x101: {  	v4 =	vmul.f32 v62, v61;
	v6 =	vadd.f32 v6, v8  }
0x102: {  	v2 =	vmul.f32 v2, v63;
	v3 =	vadd.f32 v3, v5  }
0x103: {  	v1 =	vmul.f32 v1, v63;
	v4 =	vadd.f32 v4, v6  }
0x104: {  	v2 =	vadd.f32 v2, v3  }
0x105: {  	s25 =	sadd.s32 $0x10, s25;
	v1 =	vadd.f32 v1, v4  }
0x106: {  	s24 =	sadd.s32 $0x10, s24;
	[tilespmem:s25+$0x0] =	vst v2  }
0x107: {  	[tilespmem:s24+$0x0] =	vst v1  }
0x108: {  	[hbm4b:s8+s2] =	stream.linear.scatter [tilespmem:s21], [sflag:$0x2], $0x200, $0x38;
	[tilespmem:$0x6A00] =	vst v63  }
0x109: {  	s23 =	sadd.s32 $0x1, s23;
	_ =	swait.ge [sflag:s11], $0x200  }
0x10a: {  	p0 =	sne.s32 s23, s10;
	[sflag:s11] =	ssyncset.done $0x0  }
.Ltmp1:
0x10b: {  	[sflag:s11] =	ssyncadd.s32 $0xFFFFFE00;
	(pc) =	sbr.rel @p0 .LBB2_1-.Ltmp1, $4  }
0x10c: {  	[hbm4b:s9+s2] =	stream.linear.scatter [tilespmem:s22], [sflag:$0x2], $0x200, $0x38;
	[tilespmem:$0x6A00] =	vst v63  }
0x10d: {  	_ =	swait.ge [sflag:s11], $0x200  }
0x10e: {  	[sflag:s11] =	ssyncset.done $0x0  }
0x10f: {  	[sflag:s11] =	ssyncadd.s32 $0xFFFFFE00  }
0x110: {  	_ =	sfence.sel $0x180000  }
0x111: {  	[bflag:$0x0] =	sbarrier.arrive $0xFFFF  }
0x112: {  	_ =	strace $0x90000047  }
0x113: {  	s0 =	stileid.u32;
	[bflag:$0x2] =	sbarrier.arrive $0xFFFF  }
0x114: {  	p0 =	sne.s32 s0, $0x0;
	s0 =	rddreg [dreg:$0x6]  }
0x115: {  	s0 =	sadd.s32 @!p0 $0x100000, s0  }
0x116: {  	[sflag:s0] =	ssyncadd.tile.s32 @!p0 $0x1;
	_ =	shalt  }
.Lfunc_end2:
_tile_overlayer_lowered:
.L_overlay_start_2:
0x117: {  	(tag) =	ssettag $0x2  }
0x118: {  	s0 =	rddreg [dreg:$0x0];
	s2 =	stileid.u32  }
0x119: {  	s1 =	rddreg [dreg:$0x1];
	p0 =	sne.s32 s2, $0x0  }
0x11a: {  	s3 =	rddreg [dreg:$0x2];
	[bflag:$0x3] =	sbarrier.arrive $0xFFFF;
	s2 =	simm.s32 @!p0 $0x1C02  }
0x11b: {  	[timem:s3], [sflag:s2] =	dma.local @!p0 [hbm:s0], s1  }
0x11c: {  	s0 =	simm.s32 @!p0 $0x2  }
0x11d: {  	_ =	swait.ge @!p0 [sflag:s0], s1  }
0x11e: {  	s1 =	ssub.s32 @!p0 $0x0, s1;
	[sflag:s0] =	ssyncset.done @!p0 $0x0  }
0x11f: {  	[sflag:s0] =	ssyncadd.s32 @!p0 s1  }
0x120: {  	[bflag:$0x3] =	sbarrier.arrive $0xFFFF  }
0x121: {  	_ =	shalt  }

</sc_bundles>
